<compile_context>
chip_gen: v7x
topology: tpu7x:2x2x1
jax: 0.10.2.dev20260603
libtpu: 0.0.44.dev20260713+nightly
codegen_flags: <defaults>
</compile_context>

<pallas_src>
import jax
import jax.numpy as jnp
from jax import lax
from jax.experimental import pallas as pl
from jax.experimental.pallas import tpu as pltpu
from jax.experimental.pallas import tpu_sc as plsc

N_NODES = 10000
N_EDGES = 160000
D_IN = 256
D_OUT = 128

NC = 2
NS = 16
NW = NC * NS
CHUNK = 128
NCH = 40
EPW = NCH * CHUNK
E_PAD = NW * EPW
NPAD = 10240
RPS = NPAD // NS
RCH = 128
PAD_NODE = N_NODES

_mesh = plsc.VectorSubcoreMesh(core_axis_name="c", subcore_axis_name="s")


def _fill(ref, val):
    z = jnp.full((16,), val, ref.dtype)
    if len(ref.shape) == 1:
        for j in range(ref.shape[0] // 16):
            ref[pl.ds(j * 16, 16)] = z
        return
    rows, cols = ref.shape

    def body(r, carry):
        for j in range(cols // 16):
            ref[r, pl.ds(j * 16, 16)] = z
        return carry

    lax.fori_loop(0, rows, body, 0)


def _deg_body(dst_hbm, out_hbm, didx_all, ones_v, stage, acc):
    c = lax.axis_index("c")
    s = lax.axis_index("s")
    w = c * NS + s

    _fill(ones_v, 1.0)
    _fill(stage, 0.0)
    pltpu.sync_copy(stage, acc.at[pl.ds(s * RPS, RPS)])
    pltpu.sync_copy(dst_hbm.at[pl.ds(w * NCH, NCH)], didx_all)
    plsc.subcore_barrier()

    def chunk(i, carry):
        pltpu.sync_copy(ones_v, acc.at[didx_all.at[i]], add=True)
        return carry

    lax.fori_loop(0, NCH, chunk, 0)
    plsc.subcore_barrier()

    pltpu.sync_copy(acc.at[pl.ds(s * RPS, RPS)], stage)
    pltpu.sync_copy(stage, out_hbm.at[c, pl.ds(s * RPS, RPS)])


_deg = pl.kernel(
    _deg_body,
    out_type=jax.ShapeDtypeStruct((NC, NPAD), jnp.float32),
    mesh=_mesh,
    scratch_types=[
        pltpu.VMEM((NCH, CHUNK), jnp.int32),
        pltpu.VMEM((CHUNK,), jnp.float32),
        pltpu.VMEM((RPS,), jnp.float32),
        pltpu.VMEM_SHARED((NPAD,), jnp.float32),
    ],
)


MBLK = 5120
GRID_M = NPAD // MBLK


def _mm_body(x_ref, w_ref, h_ref):
    h_ref[...] = jnp.dot(x_ref[...], w_ref[...],
                         preferred_element_type=jnp.float32)


def _mm(x, W):
    return pl.pallas_call(
        _mm_body,
        grid=(GRID_M,),
        in_specs=[
            pl.BlockSpec((MBLK, D_IN), lambda i: (i, 0)),
            pl.BlockSpec((D_IN, D_OUT), lambda i: (0, 0)),
        ],
        out_specs=pl.BlockSpec((MBLK, D_OUT), lambda i: (i, 0)),
        out_shape=jax.ShapeDtypeStruct((NPAD, D_OUT), jnp.float32),
    )(x, W)


def _scale_body(h_ref, dp_ref, g_ref):
    deg = dp_ref[0, :] + dp_ref[1, :] + 1.0
    dinv = lax.rsqrt(deg)
    g_ref[...] = h_ref[...] * dinv[:, None]


def _scale(h, dp):
    return pl.pallas_call(
        _scale_body,
        grid=(GRID_M,),
        in_specs=[
            pl.BlockSpec((MBLK, D_OUT), lambda i: (i, 0)),
            pl.BlockSpec((NC, MBLK), lambda i: (0, i)),
        ],
        out_specs=pl.BlockSpec((MBLK, D_OUT), lambda i: (i, 0)),
        out_shape=jax.ShapeDtypeStruct((NPAD, D_OUT), jnp.float32),
    )(h, dp)


def _agg_body(g_hbm, src_hbm, dst_hbm, out_hbm,
              sidx_all, didx_all, rows_a, rows_b, acc, sem_a, sem_b):
    c = lax.axis_index("c")
    s = lax.axis_index("s")
    w = c * NS + s

    ps = pltpu.async_copy(src_hbm.at[pl.ds(w * NCH, NCH)], sidx_all, sem_a)
    pd = pltpu.async_copy(dst_hbm.at[pl.ds(w * NCH, NCH)], didx_all, sem_b)
    _fill(rows_a, 0.0)
    for r in range(RPS // RCH):
        pltpu.sync_copy(rows_a, acc.at[pl.ds(s * RPS + r * RCH, RCH)])
    ps.wait()
    pd.wait()
    plsc.subcore_barrier()

    def gather_start(i, rows, sem):
        return pltpu.async_copy(g_hbm.at[sidx_all.at[i]], rows, sem)

    def gather_wait(i, rows, sem):
        pltpu.make_async_copy(g_hbm.at[sidx_all.at[i]], rows, sem).wait()

    def scat(i, rows):
        pltpu.sync_copy(rows, acc.at[didx_all.at[i]], add=True)

    gather_start(0, rows_a, sem_a)

    def pair(i, carry):
        ca = 2 * i
        cb = 2 * i + 1
        gather_start(cb, rows_b, sem_b)
        gather_wait(ca, rows_a, sem_a)
        scat(ca, rows_a)
        gather_start(ca + 2, rows_a, sem_a)
        gather_wait(cb, rows_b, sem_b)
        scat(cb, rows_b)
        return carry

    lax.fori_loop(0, NCH // 2 - 1, pair, 0)
    gather_start(NCH - 1, rows_b, sem_b)
    gather_wait(NCH - 2, rows_a, sem_a)
    scat(NCH - 2, rows_a)
    gather_wait(NCH - 1, rows_b, sem_b)
    scat(NCH - 1, rows_b)
    plsc.subcore_barrier()

    bufs = (rows_a, rows_b)
    sems = (sem_a, sem_b)
    descs = []
    for r in range(RPS // RCH):
        off = s * RPS + r * RCH
        if r >= 2:
            descs[r - 2].wait()
        pltpu.sync_copy(acc.at[pl.ds(off, RCH)], bufs[r % 2])
        descs.append(
            pltpu.async_copy(bufs[r % 2], out_hbm.at[c, pl.ds(off, RCH)],
                             sems[r % 2]))
    descs[-2].wait()
    descs[-1].wait()


_agg = pl.kernel(
    _agg_body,
    out_type=jax.ShapeDtypeStruct((NC, NPAD, D_OUT), jnp.float32),
    mesh=_mesh,
    scratch_types=[
        pltpu.VMEM((NCH, CHUNK), jnp.int32),
        pltpu.VMEM((NCH, CHUNK), jnp.int32),
        pltpu.VMEM((CHUNK, D_OUT), jnp.float32),
        pltpu.VMEM((CHUNK, D_OUT), jnp.float32),
        pltpu.VMEM_SHARED((NPAD, D_OUT), jnp.float32),
        pltpu.SemaphoreType.DMA,
        pltpu.SemaphoreType.DMA,
    ],
)


def _fin_body(p_ref, g_ref, dp_ref, b_ref, o_ref):
    deg = dp_ref[0, :] + dp_ref[1, :] + 1.0
    dinv = lax.rsqrt(deg)
    o_ref[...] = dinv[:, None] * (p_ref[0] + p_ref[1] + g_ref[...]) + b_ref[...]


def _fin(P, g, dp, b2):
    return pl.pallas_call(
        _fin_body,
        grid=(GRID_M,),
        in_specs=[
            pl.BlockSpec((NC, MBLK, D_OUT), lambda i: (0, i, 0)),
            pl.BlockSpec((MBLK, D_OUT), lambda i: (i, 0)),
            pl.BlockSpec((NC, MBLK), lambda i: (0, i)),
            pl.BlockSpec((1, D_OUT), lambda i: (0, 0)),
        ],
        out_specs=pl.BlockSpec((MBLK, D_OUT), lambda i: (i, 0)),
        out_shape=jax.ShapeDtypeStruct((N_NODES, D_OUT), jnp.float32),
    )(P, g, dp, b2)


def kernel(x, edge_index, W, b):
    ei = edge_index.astype(jnp.int32)
    pad_ids = PAD_NODE + jnp.arange(E_PAD - N_EDGES, dtype=jnp.int32) % (NPAD - N_NODES)
    pad = jnp.broadcast_to(pad_ids, (2, E_PAD - N_EDGES))
    ei = jnp.concatenate([ei, pad], axis=1)
    src2 = ei[0].reshape(NW * NCH, CHUNK)
    dst2 = ei[1].reshape(NW * NCH, CHUNK)
    dp = _deg(dst2)
    h = _mm(x, W)
    g = _scale(h, dp)
    P = _agg(g, src2, dst2)
    return _fin(P, g, dp, b.reshape(1, D_OUT))

# --- scband reference (transcript-rebuilt; emitter-appended) ---
"""Pipeline reference for scband-gcnet-53257594470724 (READ-ONLY COPY).

The authoritative reference and input builder live on the scoring server;
editing this copy changes nothing except your own understanding.
"""

import jax, jax.numpy as jnp
import numpy as np

N_NODES = 10000
N_EDGES = 160000
D_IN = 256
D_OUT = 128

def setup_inputs(seed: int = 0) -> dict:
    key = jax.random.key(seed)
    k1, k2, k3, k4 = jax.random.split(key, 4)
    x = jax.random.normal(k1, (N_NODES, D_IN), dtype=jnp.float32)
    edge_index = jax.random.randint(k2, (2, N_EDGES), 0, N_NODES, dtype=jnp.int64)
    # GCNConv linear weight (no bias in lin; bias added after aggregation, PyG default)
    W = jax.random.normal(k3, (D_IN, D_OUT), dtype=jnp.float32) * (1.0 / np.sqrt(D_IN))
    b = jax.random.normal(k4, (D_OUT,), dtype=jnp.float32) * 0.01
    return {"x": x, "edge_index": edge_index, "W": W, "b": b}

def reference(x, edge_index, W, b):
    # Faithful GCNConv (PyG semantics): add self-loops, symmetric normalization,
    # linear transform, scatter-add aggregation, bias.
    N = x.shape[0]
    loop = jnp.arange(N, dtype=edge_index.dtype)
    src = jnp.concatenate([edge_index[0], loop])
    dst = jnp.concatenate([edge_index[1], loop])
    # linear transform first (as in PyG GCNConv)
    h = x @ W
    # degree computed on destination nodes with edge_weight = 1
    ones = jnp.ones(src.shape[0], dtype=h.dtype)
    deg = jnp.zeros((N,), dtype=h.dtype).at[dst].add(ones)
    deg_inv_sqrt = jnp.where(deg > 0, jax.lax.rsqrt(deg), 0.0)
    norm = deg_inv_sqrt[src] * deg_inv_sqrt[dst]
    msg = h[src] * norm[:, None]
    out = jnp.zeros((N, h.shape[1]), dtype=h.dtype).at[dst].add(msg)
    return out + b

if False:  # reference __main__ guard neutralized (emitter)
    inp = setup_inputs()
    out = reference(**inp)
    print(out.shape, out.dtype)

if __name__ == "__main__":
    import jax
    _d = setup_inputs()
    print(jax.jit(kernel)(*tuple(_d.values())))

</pallas_src>

<mosaic_0001>
#map = affine_map<(d0, d1) -> (0, 0)>
module attributes {stable_mosaic.version = 14 : i64} {
  func.func @_deg_body(%arg0: i32, %arg1: i32, %arg2: memref<1280x128xi32, #tpu.memory_space<hbm>>, %arg3: memref<2x10240xf32, #tpu.memory_space<hbm>>, %arg4: memref<40x128xi32, #tpu.memory_space<vmem>>, %arg5: memref<128xf32, #tpu.memory_space<vmem>>, %arg6: memref<640xf32, #tpu.memory_space<vmem>>, %arg7: memref<10240xf32, #tpu.memory_space<vmem_shared>>) attributes {dimension_semantics = [#tpu.dimension_semantics<core_parallel>, #tpu.dimension_semantics<subcore_parallel>], iteration_bounds = array<i64: 2, 16>, scalar_prefetch = 0 : i64, scratch_operands = 4 : i64, tpu.core_type = #tpu.core_type<sc_vector_subcore>, window_params = [{transform_indices = #map}, {transform_indices = #map}]} {
    %mul3A = arith.constant 16 : i32
    %mul3A_0 = arith.muli %arg0, %mul3A : i32
    %add3A = arith.addi %mul3A_0, %arg1 : i32
    %broadcast_in_dim3A = arith.constant 1.000000e+00 : f32
    %broadcast_in_dim3A_1 = vector.broadcast %broadcast_in_dim3A : f32 to vector<16xf32>
    %swap3A = arith.constant 0 : index
    %swap3A_2 = tpu.vector_load %arg5[%swap3A] {strides = array<i32>} : memref<128xf32, #tpu.memory_space<vmem>>, vector<16xf32>,
    %swap3A_3 = vector.shape_cast %swap3A_2 : vector<16xf32> to vector<16xf32>
    %swap3A_4 = vector.shape_cast %broadcast_in_dim3A_1 : vector<16xf32> to vector<16xf32>
    tpu.vector_store %arg5[%swap3A], %swap3A_4 {strides = array<i32>} : memref<128xf32, #tpu.memory_space<vmem>>, vector<16xf32>,
    %swap3A_5 = arith.constant 16 : index
    %swap3A_6 = tpu.vector_load %arg5[%swap3A_5] {strides = array<i32>} : memref<128xf32, #tpu.memory_space<vmem>>, vector<16xf32>,
    %swap3A_7 = vector.shape_cast %swap3A_6 : vector<16xf32> to vector<16xf32>
    %swap3A_8 = vector.shape_cast %broadcast_in_dim3A_1 : vector<16xf32> to vector<16xf32>
    tpu.vector_store %arg5[%swap3A_5], %swap3A_8 {strides = array<i32>} : memref<128xf32, #tpu.memory_space<vmem>>, vector<16xf32>,
    %swap3A_9 = arith.constant 32 : index
    %swap3A_10 = tpu.vector_load %arg5[%swap3A_9] {strides = array<i32>} : memref<128xf32, #tpu.memory_space<vmem>>, vector<16xf32>,
    %swap3A_11 = vector.shape_cast %swap3A_10 : vector<16xf32> to vector<16xf32>
    %swap3A_12 = vector.shape_cast %broadcast_in_dim3A_1 : vector<16xf32> to vector<16xf32>
    tpu.vector_store %arg5[%swap3A_9], %swap3A_12 {strides = array<i32>} : memref<128xf32, #tpu.memory_space<vmem>>, vector<16xf32>,
    %swap3A_13 = arith.constant 48 : index
    %swap3A_14 = tpu.vector_load %arg5[%swap3A_13] {strides = array<i32>} : memref<128xf32, #tpu.memory_space<vmem>>, vector<16xf32>,
    %swap3A_15 = vector.shape_cast %swap3A_14 : vector<16xf32> to vector<16xf32>
    %swap3A_16 = vector.shape_cast %broadcast_in_dim3A_1 : vector<16xf32> to vector<16xf32>
    tpu.vector_store %arg5[%swap3A_13], %swap3A_16 {strides = array<i32>} : memref<128xf32, #tpu.memory_space<vmem>>, vector<16xf32>,
    %swap3A_17 = arith.constant 64 : index
    %swap3A_18 = tpu.vector_load %arg5[%swap3A_17] {strides = array<i32>} : memref<128xf32, #tpu.memory_space<vmem>>, vector<16xf32>,
    %swap3A_19 = vector.shape_cast %swap3A_18 : vector<16xf32> to vector<16xf32>
    %swap3A_20 = vector.shape_cast %broadcast_in_dim3A_1 : vector<16xf32> to vector<16xf32>
    tpu.vector_store %arg5[%swap3A_17], %swap3A_20 {strides = array<i32>} : memref<128xf32, #tpu.memory_space<vmem>>, vector<16xf32>,
    %swap3A_21 = arith.constant 80 : index
    %swap3A_22 = tpu.vector_load %arg5[%swap3A_21] {strides = array<i32>} : memref<128xf32, #tpu.memory_space<vmem>>, vector<16xf32>,
    %swap3A_23 = vector.shape_cast %swap3A_22 : vector<16xf32> to vector<16xf32>
    %swap3A_24 = vector.shape_cast %broadcast_in_dim3A_1 : vector<16xf32> to vector<16xf32>
    tpu.vector_store %arg5[%swap3A_21], %swap3A_24 {strides = array<i32>} : memref<128xf32, #tpu.memory_space<vmem>>, vector<16xf32>,
    %swap3A_25 = arith.constant 96 : index
    %swap3A_26 = tpu.vector_load %arg5[%swap3A_25] {strides = array<i32>} : memref<128xf32, #tpu.memory_space<vmem>>, vector<16xf32>,
    %swap3A_27 = vector.shape_cast %swap3A_26 : vector<16xf32> to vector<16xf32>
    %swap3A_28 = vector.shape_cast %broadcast_in_dim3A_1 : vector<16xf32> to vector<16xf32>
    tpu.vector_store %arg5[%swap3A_25], %swap3A_28 {strides = array<i32>} : memref<128xf32, #tpu.memory_space<vmem>>, vector<16xf32>,
    %swap3A_29 = arith.constant 112 : index
    %swap3A_30 = tpu.vector_load %arg5[%swap3A_29] {strides = array<i32>} : memref<128xf32, #tpu.memory_space<vmem>>, vector<16xf32>,
    %swap3A_31 = vector.shape_cast %swap3A_30 : vector<16xf32> to vector<16xf32>
    %swap3A_32 = vector.shape_cast %broadcast_in_dim3A_1 : vector<16xf32> to vector<16xf32>
    tpu.vector_store %arg5[%swap3A_29], %swap3A_32 {strides = array<i32>} : memref<128xf32, #tpu.memory_space<vmem>>, vector<16xf32>,
    %broadcast_in_dim3A_33 = arith.constant 0.000000e+00 : f32
    %broadcast_in_dim3A_34 = vector.broadcast %broadcast_in_dim3A_33 : f32 to vector<16xf32>
    %swap3A_35 = arith.constant 0 : index
    %swap3A_36 = tpu.vector_load %arg6[%swap3A_35] {strides = array<i32>} : memref<640xf32, #tpu.memory_space<vmem>>, vector<16xf32>,
    %swap3A_37 = vector.shape_cast %swap3A_36 : vector<16xf32> to vector<16xf32>
    %swap3A_38 = vector.shape_cast %broadcast_in_dim3A_34 : vector<16xf32> to vector<16xf32>
    tpu.vector_store %arg6[%swap3A_35], %swap3A_38 {strides = array<i32>} : memref<640xf32, #tpu.memory_space<vmem>>, vector<16xf32>,
    %swap3A_39 = arith.constant 16 : index
    %swap3A_40 = tpu.vector_load %arg6[%swap3A_39] {strides = array<i32>} : memref<640xf32, #tpu.memory_space<vmem>>, vector<16xf32>,
    %swap3A_41 = vector.shape_cast %swap3A_40 : vector<16xf32> to vector<16xf32>
    %swap3A_42 = vector.shape_cast %broadcast_in_dim3A_34 : vector<16xf32> to vector<16xf32>
    tpu.vector_store %arg6[%swap3A_39], %swap3A_42 {strides = array<i32>} : memref<640xf32, #tpu.memory_space<vmem>>, vector<16xf32>,
    %swap3A_43 = arith.constant 32 : index
    %swap3A_44 = tpu.vector_load %arg6[%swap3A_43] {strides = array<i32>} : memref<640xf32, #tpu.memory_space<vmem>>, vector<16xf32>,
    %swap3A_45 = vector.shape_cast %swap3A_44 : vector<16xf32> to vector<16xf32>
    %swap3A_46 = vector.shape_cast %broadcast_in_dim3A_34 : vector<16xf32> to vector<16xf32>
    tpu.vector_store %arg6[%swap3A_43], %swap3A_46 {strides = array<i32>} : memref<640xf32, #tpu.memory_space<vmem>>, vector<16xf32>,
    %swap3A_47 = arith.constant 48 : index
    %swap3A_48 = tpu.vector_load %arg6[%swap3A_47] {strides = array<i32>} : memref<640xf32, #tpu.memory_space<vmem>>, vector<16xf32>,
    %swap3A_49 = vector.shape_cast %swap3A_48 : vector<16xf32> to vector<16xf32>
    %swap3A_50 = vector.shape_cast %broadcast_in_dim3A_34 : vector<16xf32> to vector<16xf32>
    tpu.vector_store %arg6[%swap3A_47], %swap3A_50 {strides = array<i32>} : memref<640xf32, #tpu.memory_space<vmem>>, vector<16xf32>,
    %swap3A_51 = arith.constant 64 : index
    %swap3A_52 = tpu.vector_load %arg6[%swap3A_51] {strides = array<i32>} : memref<640xf32, #tpu.memory_space<vmem>>, vector<16xf32>,
    %swap3A_53 = vector.shape_cast %swap3A_52 : vector<16xf32> to vector<16xf32>
    %swap3A_54 = vector.shape_cast %broadcast_in_dim3A_34 : vector<16xf32> to vector<16xf32>
    tpu.vector_store %arg6[%swap3A_51], %swap3A_54 {strides = array<i32>} : memref<640xf32, #tpu.memory_space<vmem>>, vector<16xf32>,
    %swap3A_55 = arith.constant 80 : index
    %swap3A_56 = tpu.vector_load %arg6[%swap3A_55] {strides = array<i32>} : memref<640xf32, #tpu.memory_space<vmem>>, vector<16xf32>,
    %swap3A_57 = vector.shape_cast %swap3A_56 : vector<16xf32> to vector<16xf32>
    %swap3A_58 = vector.shape_cast %broadcast_in_dim3A_34 : vector<16xf32> to vector<16xf32>
    tpu.vector_store %arg6[%swap3A_55], %swap3A_58 {strides = array<i32>} : memref<640xf32, #tpu.memory_space<vmem>>, vector<16xf32>,
    %swap3A_59 = arith.constant 96 : index
    %swap3A_60 = tpu.vector_load %arg6[%swap3A_59] {strides = array<i32>} : memref<640xf32, #tpu.memory_space<vmem>>, vector<16xf32>,
    %swap3A_61 = vector.shape_cast %swap3A_60 : vector<16xf32> to vector<16xf32>
    %swap3A_62 = vector.shape_cast %broadcast_in_dim3A_34 : vector<16xf32> to vector<16xf32>
    tpu.vector_store %arg6[%swap3A_59], %swap3A_62 {strides = array<i32>} : memref<640xf32, #tpu.memory_space<vmem>>, vector<16xf32>,
    %swap3A_63 = arith.constant 112 : index
    %swap3A_64 = tpu.vector_load %arg6[%swap3A_63] {strides = array<i32>} : memref<640xf32, #tpu.memory_space<vmem>>, vector<16xf32>,
    %swap3A_65 = vector.shape_cast %swap3A_64 : vector<16xf32> to vector<16xf32>
    %swap3A_66 = vector.shape_cast %broadcast_in_dim3A_34 : vector<16xf32> to vector<16xf32>
    tpu.vector_store %arg6[%swap3A_63], %swap3A_66 {strides = array<i32>} : memref<640xf32, #tpu.memory_space<vmem>>, vector<16xf32>,
    %swap3A_67 = arith.constant 128 : index
    %swap3A_68 = tpu.vector_load %arg6[%swap3A_67] {strides = array<i32>} : memref<640xf32, #tpu.memory_space<vmem>>, vector<16xf32>,
    %swap3A_69 = vector.shape_cast %swap3A_68 : vector<16xf32> to vector<16xf32>
    %swap3A_70 = vector.shape_cast %broadcast_in_dim3A_34 : vector<16xf32> to vector<16xf32>
    tpu.vector_store %arg6[%swap3A_67], %swap3A_70 {strides = array<i32>} : memref<640xf32, #tpu.memory_space<vmem>>, vector<16xf32>,
    %swap3A_71 = arith.constant 144 : index
    %swap3A_72 = tpu.vector_load %arg6[%swap3A_71] {strides = array<i32>} : memref<640xf32, #tpu.memory_space<vmem>>, vector<16xf32>,
    %swap3A_73 = vector.shape_cast %swap3A_72 : vector<16xf32> to vector<16xf32>
    %swap3A_74 = vector.shape_cast %broadcast_in_dim3A_34 : vector<16xf32> to vector<16xf32>
    tpu.vector_store %arg6[%swap3A_71], %swap3A_74 {strides = array<i32>} : memref<640xf32, #tpu.memory_space<vmem>>, vector<16xf32>,
    %swap3A_75 = arith.constant 160 : index
    %swap3A_76 = tpu.vector_load %arg6[%swap3A_75] {strides = array<i32>} : memref<640xf32, #tpu.memory_space<vmem>>, vector<16xf32>,
    %swap3A_77 = vector.shape_cast %swap3A_76 : vector<16xf32> to vector<16xf32>
    %swap3A_78 = vector.shape_cast %broadcast_in_dim3A_34 : vector<16xf32> to vector<16xf32>
    tpu.vector_store %arg6[%swap3A_75], %swap3A_78 {strides = array<i32>} : memref<640xf32, #tpu.memory_space<vmem>>, vector<16xf32>,
    %swap3A_79 = arith.constant 176 : index
    %swap3A_80 = tpu.vector_load %arg6[%swap3A_79] {strides = array<i32>} : memref<640xf32, #tpu.memory_space<vmem>>, vector<16xf32>,
    %swap3A_81 = vector.shape_cast %swap3A_80 : vector<16xf32> to vector<16xf32>
    %swap3A_82 = vector.shape_cast %broadcast_in_dim3A_34 : vector<16xf32> to vector<16xf32>
    tpu.vector_store %arg6[%swap3A_79], %swap3A_82 {strides = array<i32>} : memref<640xf32, #tpu.memory_space<vmem>>, vector<16xf32>,
    %swap3A_83 = arith.constant 192 : index
    %swap3A_84 = tpu.vector_load %arg6[%swap3A_83] {strides = array<i32>} : memref<640xf32, #tpu.memory_space<vmem>>, vector<16xf32>,
    %swap3A_85 = vector.shape_cast %swap3A_84 : vector<16xf32> to vector<16xf32>
    %swap3A_86 = vector.shape_cast %broadcast_in_dim3A_34 : vector<16xf32> to vector<16xf32>
    tpu.vector_store %arg6[%swap3A_83], %swap3A_86 {strides = array<i32>} : memref<640xf32, #tpu.memory_space<vmem>>, vector<16xf32>,
    %swap3A_87 = arith.constant 208 : index
    %swap3A_88 = tpu.vector_load %arg6[%swap3A_87] {strides = array<i32>} : memref<640xf32, #tpu.memory_space<vmem>>, vector<16xf32>,
    %swap3A_89 = vector.shape_cast %swap3A_88 : vector<16xf32> to vector<16xf32>
    %swap3A_90 = vector.shape_cast %broadcast_in_dim3A_34 : vector<16xf32> to vector<16xf32>
    tpu.vector_store %arg6[%swap3A_87], %swap3A_90 {strides = array<i32>} : memref<640xf32, #tpu.memory_space<vmem>>, vector<16xf32>,
    %swap3A_91 = arith.constant 224 : index
    %swap3A_92 = tpu.vector_load %arg6[%swap3A_91] {strides = array<i32>} : memref<640xf32, #tpu.memory_space<vmem>>, vector<16xf32>,
    %swap3A_93 = vector.shape_cast %swap3A_92 : vector<16xf32> to vector<16xf32>
    %swap3A_94 = vector.shape_cast %broadcast_in_dim3A_34 : vector<16xf32> to vector<16xf32>
    tpu.vector_store %arg6[%swap3A_91], %swap3A_94 {strides = array<i32>} : memref<640xf32, #tpu.memory_space<vmem>>, vector<16xf32>,
    %swap3A_95 = arith.constant 240 : index
    %swap3A_96 = tpu.vector_load %arg6[%swap3A_95] {strides = array<i32>} : memref<640xf32, #tpu.memory_space<vmem>>, vector<16xf32>,
    %swap3A_97 = vector.shape_cast %swap3A_96 : vector<16xf32> to vector<16xf32>
    %swap3A_98 = vector.shape_cast %broadcast_in_dim3A_34 : vector<16xf32> to vector<16xf32>
    tpu.vector_store %arg6[%swap3A_95], %swap3A_98 {strides = array<i32>} : memref<640xf32, #tpu.memory_space<vmem>>, vector<16xf32>,
    %swap3A_99 = arith.constant 256 : index
    %swap3A_100 = tpu.vector_load %arg6[%swap3A_99] {strides = array<i32>} : memref<640xf32, #tpu.memory_space<vmem>>, vector<16xf32>,
    %swap3A_101 = vector.shape_cast %swap3A_100 : vector<16xf32> to vector<16xf32>
    %swap3A_102 = vector.shape_cast %broadcast_in_dim3A_34 : vector<16xf32> to vector<16xf32>
    tpu.vector_store %arg6[%swap3A_99], %swap3A_102 {strides = array<i32>} : memref<640xf32, #tpu.memory_space<vmem>>, vector<16xf32>,
    %swap3A_103 = arith.constant 272 : index
    %swap3A_104 = tpu.vector_load %arg6[%swap3A_103] {strides = array<i32>} : memref<640xf32, #tpu.memory_space<vmem>>, vector<16xf32>,
    %swap3A_105 = vector.shape_cast %swap3A_104 : vector<16xf32> to vector<16xf32>
    %swap3A_106 = vector.shape_cast %broadcast_in_dim3A_34 : vector<16xf32> to vector<16xf32>
    tpu.vector_store %arg6[%swap3A_103], %swap3A_106 {strides = array<i32>} : memref<640xf32, #tpu.memory_space<vmem>>, vector<16xf32>,
    %swap3A_107 = arith.constant 288 : index
    %swap3A_108 = tpu.vector_load %arg6[%swap3A_107] {strides = array<i32>} : memref<640xf32, #tpu.memory_space<vmem>>, vector<16xf32>,
    %swap3A_109 = vector.shape_cast %swap3A_108 : vector<16xf32> to vector<16xf32>
    %swap3A_110 = vector.shape_cast %broadcast_in_dim3A_34 : vector<16xf32> to vector<16xf32>
    tpu.vector_store %arg6[%swap3A_107], %swap3A_110 {strides = array<i32>} : memref<640xf32, #tpu.memory_space<vmem>>, vector<16xf32>,
    %swap3A_111 = arith.constant 304 : index
    %swap3A_112 = tpu.vector_load %arg6[%swap3A_111] {strides = array<i32>} : memref<640xf32, #tpu.memory_space<vmem>>, vector<16xf32>,
    %swap3A_113 = vector.shape_cast %swap3A_112 : vector<16xf32> to vector<16xf32>
    %swap3A_114 = vector.shape_cast %broadcast_in_dim3A_34 : vector<16xf32> to vector<16xf32>
    tpu.vector_store %arg6[%swap3A_111], %swap3A_114 {strides = array<i32>} : memref<640xf32, #tpu.memory_space<vmem>>, vector<16xf32>,
    %swap3A_115 = arith.constant 320 : index
    %swap3A_116 = tpu.vector_load %arg6[%swap3A_115] {strides = array<i32>} : memref<640xf32, #tpu.memory_space<vmem>>, vector<16xf32>,
    %swap3A_117 = vector.shape_cast %swap3A_116 : vector<16xf32> to vector<16xf32>
    %swap3A_118 = vector.shape_cast %broadcast_in_dim3A_34 : vector<16xf32> to vector<16xf32>
    tpu.vector_store %arg6[%swap3A_115], %swap3A_118 {strides = array<i32>} : memref<640xf32, #tpu.memory_space<vmem>>, vector<16xf32>,
    %swap3A_119 = arith.constant 336 : index
    %swap3A_120 = tpu.vector_load %arg6[%swap3A_119] {strides = array<i32>} : memref<640xf32, #tpu.memory_space<vmem>>, vector<16xf32>,
    %swap3A_121 = vector.shape_cast %swap3A_120 : vector<16xf32> to vector<16xf32>
    %swap3A_122 = vector.shape_cast %broadcast_in_dim3A_34 : vector<16xf32> to vector<16xf32>
    tpu.vector_store %arg6[%swap3A_119], %swap3A_122 {strides = array<i32>} : memref<640xf32, #tpu.memory_space<vmem>>, vector<16xf32>,
    %swap3A_123 = arith.constant 352 : index
    %swap3A_124 = tpu.vector_load %arg6[%swap3A_123] {strides = array<i32>} : memref<640xf32, #tpu.memory_space<vmem>>, vector<16xf32>,
    %swap3A_125 = vector.shape_cast %swap3A_124 : vector<16xf32> to vector<16xf32>
    %swap3A_126 = vector.shape_cast %broadcast_in_dim3A_34 : vector<16xf32> to vector<16xf32>
    tpu.vector_store %arg6[%swap3A_123], %swap3A_126 {strides = array<i32>} : memref<640xf32, #tpu.memory_space<vmem>>, vector<16xf32>,
    %swap3A_127 = arith.constant 368 : index
    %swap3A_128 = tpu.vector_load %arg6[%swap3A_127] {strides = array<i32>} : memref<640xf32, #tpu.memory_space<vmem>>, vector<16xf32>,
    %swap3A_129 = vector.shape_cast %swap3A_128 : vector<16xf32> to vector<16xf32>
    %swap3A_130 = vector.shape_cast %broadcast_in_dim3A_34 : vector<16xf32> to vector<16xf32>
    tpu.vector_store %arg6[%swap3A_127], %swap3A_130 {strides = array<i32>} : memref<640xf32, #tpu.memory_space<vmem>>, vector<16xf32>,
    %swap3A_131 = arith.constant 384 : index
    %swap3A_132 = tpu.vector_load %arg6[%swap3A_131] {strides = array<i32>} : memref<640xf32, #tpu.memory_space<vmem>>, vector<16xf32>,
    %swap3A_133 = vector.shape_cast %swap3A_132 : vector<16xf32> to vector<16xf32>
    %swap3A_134 = vector.shape_cast %broadcast_in_dim3A_34 : vector<16xf32> to vector<16xf32>
    tpu.vector_store %arg6[%swap3A_131], %swap3A_134 {strides = array<i32>} : memref<640xf32, #tpu.memory_space<vmem>>, vector<16xf32>,
    %swap3A_135 = arith.constant 400 : index
    %swap3A_136 = tpu.vector_load %arg6[%swap3A_135] {strides = array<i32>} : memref<640xf32, #tpu.memory_space<vmem>>, vector<16xf32>,
    %swap3A_137 = vector.shape_cast %swap3A_136 : vector<16xf32> to vector<16xf32>
    %swap3A_138 = vector.shape_cast %broadcast_in_dim3A_34 : vector<16xf32> to vector<16xf32>
    tpu.vector_store %arg6[%swap3A_135], %swap3A_138 {strides = array<i32>} : memref<640xf32, #tpu.memory_space<vmem>>, vector<16xf32>,
    %swap3A_139 = arith.constant 416 : index
    %swap3A_140 = tpu.vector_load %arg6[%swap3A_139] {strides = array<i32>} : memref<640xf32, #tpu.memory_space<vmem>>, vector<16xf32>,
    %swap3A_141 = vector.shape_cast %swap3A_140 : vector<16xf32> to vector<16xf32>
    %swap3A_142 = vector.shape_cast %broadcast_in_dim3A_34 : vector<16xf32> to vector<16xf32>
    tpu.vector_store %arg6[%swap3A_139], %swap3A_142 {strides = array<i32>} : memref<640xf32, #tpu.memory_space<vmem>>, vector<16xf32>,
    %swap3A_143 = arith.constant 432 : index
    %swap3A_144 = tpu.vector_load %arg6[%swap3A_143] {strides = array<i32>} : memref<640xf32, #tpu.memory_space<vmem>>, vector<16xf32>,
    %swap3A_145 = vector.shape_cast %swap3A_144 : vector<16xf32> to vector<16xf32>
    %swap3A_146 = vector.shape_cast %broadcast_in_dim3A_34 : vector<16xf32> to vector<16xf32>
    tpu.vector_store %arg6[%swap3A_143], %swap3A_146 {strides = array<i32>} : memref<640xf32, #tpu.memory_space<vmem>>, vector<16xf32>,
    %swap3A_147 = arith.constant 448 : index
    %swap3A_148 = tpu.vector_load %arg6[%swap3A_147] {strides = array<i32>} : memref<640xf32, #tpu.memory_space<vmem>>, vector<16xf32>,
    %swap3A_149 = vector.shape_cast %swap3A_148 : vector<16xf32> to vector<16xf32>
    %swap3A_150 = vector.shape_cast %broadcast_in_dim3A_34 : vector<16xf32> to vector<16xf32>
    tpu.vector_store %arg6[%swap3A_147], %swap3A_150 {strides = array<i32>} : memref<640xf32, #tpu.memory_space<vmem>>, vector<16xf32>,
    %swap3A_151 = arith.constant 464 : index
    %swap3A_152 = tpu.vector_load %arg6[%swap3A_151] {strides = array<i32>} : memref<640xf32, #tpu.memory_space<vmem>>, vector<16xf32>,
    %swap3A_153 = vector.shape_cast %swap3A_152 : vector<16xf32> to vector<16xf32>
    %swap3A_154 = vector.shape_cast %broadcast_in_dim3A_34 : vector<16xf32> to vector<16xf32>
    tpu.vector_store %arg6[%swap3A_151], %swap3A_154 {strides = array<i32>} : memref<640xf32, #tpu.memory_space<vmem>>, vector<16xf32>,
    %swap3A_155 = arith.constant 480 : index
    %swap3A_156 = tpu.vector_load %arg6[%swap3A_155] {strides = array<i32>} : memref<640xf32, #tpu.memory_space<vmem>>, vector<16xf32>,
    %swap3A_157 = vector.shape_cast %swap3A_156 : vector<16xf32> to vector<16xf32>
    %swap3A_158 = vector.shape_cast %broadcast_in_dim3A_34 : vector<16xf32> to vector<16xf32>
    tpu.vector_store %arg6[%swap3A_155], %swap3A_158 {strides = array<i32>} : memref<640xf32, #tpu.memory_space<vmem>>, vector<16xf32>,
    %swap3A_159 = arith.constant 496 : index
    %swap3A_160 = tpu.vector_load %arg6[%swap3A_159] {strides = array<i32>} : memref<640xf32, #tpu.memory_space<vmem>>, vector<16xf32>,
    %swap3A_161 = vector.shape_cast %swap3A_160 : vector<16xf32> to vector<16xf32>
    %swap3A_162 = vector.shape_cast %broadcast_in_dim3A_34 : vector<16xf32> to vector<16xf32>
    tpu.vector_store %arg6[%swap3A_159], %swap3A_162 {strides = array<i32>} : memref<640xf32, #tpu.memory_space<vmem>>, vector<16xf32>,
    %swap3A_163 = arith.constant 512 : index
    %swap3A_164 = tpu.vector_load %arg6[%swap3A_163] {strides = array<i32>} : memref<640xf32, #tpu.memory_space<vmem>>, vector<16xf32>,
    %swap3A_165 = vector.shape_cast %swap3A_164 : vector<16xf32> to vector<16xf32>
    %swap3A_166 = vector.shape_cast %broadcast_in_dim3A_34 : vector<16xf32> to vector<16xf32>
    tpu.vector_store %arg6[%swap3A_163], %swap3A_166 {strides = array<i32>} : memref<640xf32, #tpu.memory_space<vmem>>, vector<16xf32>,
    %swap3A_167 = arith.constant 528 : index
    %swap3A_168 = tpu.vector_load %arg6[%swap3A_167] {strides = array<i32>} : memref<640xf32, #tpu.memory_space<vmem>>, vector<16xf32>,
    %swap3A_169 = vector.shape_cast %swap3A_168 : vector<16xf32> to vector<16xf32>
    %swap3A_170 = vector.shape_cast %broadcast_in_dim3A_34 : vector<16xf32> to vector<16xf32>
    tpu.vector_store %arg6[%swap3A_167], %swap3A_170 {strides = array<i32>} : memref<640xf32, #tpu.memory_space<vmem>>, vector<16xf32>,
    %swap3A_171 = arith.constant 544 : index
    %swap3A_172 = tpu.vector_load %arg6[%swap3A_171] {strides = array<i32>} : memref<640xf32, #tpu.memory_space<vmem>>, vector<16xf32>,
    %swap3A_173 = vector.shape_cast %swap3A_172 : vector<16xf32> to vector<16xf32>
    %swap3A_174 = vector.shape_cast %broadcast_in_dim3A_34 : vector<16xf32> to vector<16xf32>
    tpu.vector_store %arg6[%swap3A_171], %swap3A_174 {strides = array<i32>} : memref<640xf32, #tpu.memory_space<vmem>>, vector<16xf32>,
    %swap3A_175 = arith.constant 560 : index
    %swap3A_176 = tpu.vector_load %arg6[%swap3A_175] {strides = array<i32>} : memref<640xf32, #tpu.memory_space<vmem>>, vector<16xf32>,
    %swap3A_177 = vector.shape_cast %swap3A_176 : vector<16xf32> to vector<16xf32>
    %swap3A_178 = vector.shape_cast %broadcast_in_dim3A_34 : vector<16xf32> to vector<16xf32>
    tpu.vector_store %arg6[%swap3A_175], %swap3A_178 {strides = array<i32>} : memref<640xf32, #tpu.memory_space<vmem>>, vector<16xf32>,
    %swap3A_179 = arith.constant 576 : index
    %swap3A_180 = tpu.vector_load %arg6[%swap3A_179] {strides = array<i32>} : memref<640xf32, #tpu.memory_space<vmem>>, vector<16xf32>,
    %swap3A_181 = vector.shape_cast %swap3A_180 : vector<16xf32> to vector<16xf32>
    %swap3A_182 = vector.shape_cast %broadcast_in_dim3A_34 : vector<16xf32> to vector<16xf32>
    tpu.vector_store %arg6[%swap3A_179], %swap3A_182 {strides = array<i32>} : memref<640xf32, #tpu.memory_space<vmem>>, vector<16xf32>,
    %swap3A_183 = arith.constant 592 : index
    %swap3A_184 = tpu.vector_load %arg6[%swap3A_183] {strides = array<i32>} : memref<640xf32, #tpu.memory_space<vmem>>, vector<16xf32>,
    %swap3A_185 = vector.shape_cast %swap3A_184 : vector<16xf32> to vector<16xf32>
    %swap3A_186 = vector.shape_cast %broadcast_in_dim3A_34 : vector<16xf32> to vector<16xf32>
    tpu.vector_store %arg6[%swap3A_183], %swap3A_186 {strides = array<i32>} : memref<640xf32, #tpu.memory_space<vmem>>, vector<16xf32>,
    %swap3A_187 = arith.constant 608 : index
    %swap3A_188 = tpu.vector_load %arg6[%swap3A_187] {strides = array<i32>} : memref<640xf32, #tpu.memory_space<vmem>>, vector<16xf32>,
    %swap3A_189 = vector.shape_cast %swap3A_188 : vector<16xf32> to vector<16xf32>
    %swap3A_190 = vector.shape_cast %broadcast_in_dim3A_34 : vector<16xf32> to vector<16xf32>
    tpu.vector_store %arg6[%swap3A_187], %swap3A_190 {strides = array<i32>} : memref<640xf32, #tpu.memory_space<vmem>>, vector<16xf32>,
    %swap3A_191 = arith.constant 624 : index
    %swap3A_192 = tpu.vector_load %arg6[%swap3A_191] {strides = array<i32>} : memref<640xf32, #tpu.memory_space<vmem>>, vector<16xf32>,
    %swap3A_193 = vector.shape_cast %swap3A_192 : vector<16xf32> to vector<16xf32>
    %swap3A_194 = vector.shape_cast %broadcast_in_dim3A_34 : vector<16xf32> to vector<16xf32>
    tpu.vector_store %arg6[%swap3A_191], %swap3A_194 {strides = array<i32>} : memref<640xf32, #tpu.memory_space<vmem>>, vector<16xf32>,
    %mul3A_195 = arith.constant 640 : i32
    %mul3A_196 = arith.muli %arg1, %mul3A_195 : i32
    "tpu.region"() ({
      %run_scoped3A = tpu.sem_alloc : memref<!tpu.dma_semaphore, #tpu.memory_space<semaphore_mem>>
      %dma_start3A = tpu.memref_slice %arg7[%mul3A_196] : memref<10240xf32, #tpu.memory_space<vmem_shared>> -> memref<640xf32, #tpu.memory_space<vmem_shared>>
      %dma_start3A_209 = tpu.memref_slice %arg7[%mul3A_196] : memref<10240xf32, #tpu.memory_space<vmem_shared>> -> memref<640xf32, #tpu.memory_space<vmem_shared>>
      tpu.enqueue_dma source(%arg6 : memref<640xf32, #tpu.memory_space<vmem>>) target(%dma_start3A_209 : memref<640xf32, #tpu.memory_space<vmem_shared>>) target_semaphore(%run_scoped3A : memref<!tpu.dma_semaphore, #tpu.memory_space<semaphore_mem>>)
      %dma_wait3A = tpu.memref_slice %arg7[%mul3A_196] : memref<10240xf32, #tpu.memory_space<vmem_shared>> -> memref<640xf32, #tpu.memory_space<vmem_shared>>
      %dma_wait3A_210 = tpu.memref_slice %arg7[%mul3A_196] : memref<10240xf32, #tpu.memory_space<vmem_shared>> -> memref<640xf32, #tpu.memory_space<vmem_shared>>
      tpu.wait_dma2 semaphore(%run_scoped3A : memref<!tpu.dma_semaphore, #tpu.memory_space<semaphore_mem>>) src(%arg6 : memref<640xf32, #tpu.memory_space<vmem>>) dst(%dma_wait3A_210 : memref<640xf32, #tpu.memory_space<vmem_shared>>)
      tpu.yield
    }) : () -> ()
    %mul3A_197 = arith.constant 40 : i32
    %mul3A_198 = arith.muli %add3A, %mul3A_197 : i32
    "tpu.region"() ({
      %run_scoped3A = tpu.sem_alloc : memref<!tpu.dma_semaphore, #tpu.memory_space<semaphore_mem>>
      %dma_start3A = arith.constant 0 : i32
      %dma_start3A_209 = tpu.memref_slice %arg2[%mul3A_198, %dma_start3A] : memref<1280x128xi32, #tpu.memory_space<hbm>> -> memref<40x128xi32, #tpu.memory_space<hbm>>
      %dma_start3A_210 = arith.constant 0 : i32
      %dma_start3A_211 = tpu.memref_slice %arg2[%mul3A_198, %dma_start3A_210] : memref<1280x128xi32, #tpu.memory_space<hbm>> -> memref<40x128xi32, #tpu.memory_space<hbm>>
      tpu.enqueue_dma source(%dma_start3A_211 : memref<40x128xi32, #tpu.memory_space<hbm>>) target(%arg4 : memref<40x128xi32, #tpu.memory_space<vmem>>) target_semaphore(%run_scoped3A : memref<!tpu.dma_semaphore, #tpu.memory_space<semaphore_mem>>)
      %dma_wait3A = arith.constant 0 : i32
      %dma_wait3A_212 = tpu.memref_slice %arg2[%mul3A_198, %dma_wait3A] : memref<1280x128xi32, #tpu.memory_space<hbm>> -> memref<40x128xi32, #tpu.memory_space<hbm>>
      %dma_wait3A_213 = arith.constant 0 : i32
      %dma_wait3A_214 = tpu.memref_slice %arg2[%mul3A_198, %dma_wait3A_213] : memref<1280x128xi32, #tpu.memory_space<hbm>> -> memref<40x128xi32, #tpu.memory_space<hbm>>
      tpu.wait_dma2 semaphore(%run_scoped3A : memref<!tpu.dma_semaphore, #tpu.memory_space<semaphore_mem>>) src(%dma_wait3A_214 : memref<40x128xi32, #tpu.memory_space<hbm>>) dst(%arg4 : memref<40x128xi32, #tpu.memory_space<vmem>>)
      tpu.yield
    }) : () -> ()
    %barrier3A = arith.constant 0 : index
    tpu.barrier barrier_id(%barrier3A)
    %scan3A = arith.constant 0 : i32
    %scan3A_199 = arith.constant 0 : i32
    %scan3A_200 = arith.constant 40 : i32
    %scan3A_201 = arith.addi %scan3A_199, %scan3A_200 : i32
    %scan3A_202 = arith.constant 1 : i32
    scf.for %scan3A_209 = %scan3A_199 to %scan3A_201 step %scan3A_202  : i32 {
      "tpu.region"() ({
        %run_scoped3A = tpu.sem_alloc : memref<!tpu.dma_semaphore, #tpu.memory_space<semaphore_mem>>
        %dma_start3A = arith.constant 0 : i32
        %dma_start3A_210 = tpu.memref_slice %arg4[%scan3A_209, %dma_start3A] : memref<40x128xi32, #tpu.memory_space<vmem>> -> memref<1x128xi32, #tpu.memory_space<vmem>>
        %dma_start3A_211 = tpu.memref_squeeze %dma_start3A_210 : memref<1x128xi32, #tpu.memory_space<vmem>> -> memref<128xi32, #tpu.memory_space<vmem>>
        %dma_start3A_212 = arith.constant 0 : i32
        %dma_start3A_213 = tpu.memref_slice %arg7[%dma_start3A_212] : memref<10240xf32, #tpu.memory_space<vmem_shared>> -> memref<10240xf32, #tpu.memory_space<vmem_shared>>
        tpu.enqueue_indirect_dma source(%arg5 : memref<128xf32, #tpu.memory_space<vmem>>) target(%dma_start3A_213 : memref<10240xf32, #tpu.memory_space<vmem_shared>>) offsets(%dma_start3A_211 : memref<128xi32, #tpu.memory_space<vmem>>) semaphore(%run_scoped3A : memref<!tpu.dma_semaphore, #tpu.memory_space<semaphore_mem>>) {add = true}
        %dma_wait3A = arith.constant 0 : i32
        %dma_wait3A_214 = tpu.memref_slice %arg4[%scan3A_209, %dma_wait3A] : memref<40x128xi32, #tpu.memory_space<vmem>> -> memref<1x128xi32, #tpu.memory_space<vmem>>
        %dma_wait3A_215 = tpu.memref_squeeze %dma_wait3A_214 : memref<1x128xi32, #tpu.memory_space<vmem>> -> memref<128xi32, #tpu.memory_space<vmem>>
        %dma_wait3A_216 = arith.constant 0 : i32
        %dma_wait3A_217 = tpu.memref_slice %arg7[%dma_wait3A_216] : memref<10240xf32, #tpu.memory_space<vmem_shared>> -> memref<10240xf32, #tpu.memory_space<vmem_shared>>
        tpu.wait_indirect_dma semaphore(%run_scoped3A : memref<!tpu.dma_semaphore, #tpu.memory_space<semaphore_mem>>) src(%arg5 : memref<128xf32, #tpu.memory_space<vmem>>) dst(%dma_wait3A_217 : memref<10240xf32, #tpu.memory_space<vmem_shared>>)
        tpu.yield
      }) : () -> ()
    }
    %scan3A_203 = arith.constant 40 : i32
    %barrier3A_204 = arith.constant 0 : index
    tpu.barrier barrier_id(%barrier3A_204)
    %mul3A_205 = arith.constant 640 : i32
    %mul3A_206 = arith.muli %arg1, %mul3A_205 : i32
    "tpu.region"() ({
      %run_scoped3A = tpu.sem_alloc : memref<!tpu.dma_semaphore, #tpu.memory_space<semaphore_mem>>
      %dma_start3A = tpu.memref_slice %arg7[%mul3A_206] : memref<10240xf32, #tpu.memory_space<vmem_shared>> -> memref<640xf32, #tpu.memory_space<vmem_shared>>
      %dma_start3A_209 = tpu.memref_slice %arg7[%mul3A_206] : memref<10240xf32, #tpu.memory_space<vmem_shared>> -> memref<640xf32, #tpu.memory_space<vmem_shared>>
      tpu.enqueue_dma source(%dma_start3A_209 : memref<640xf32, #tpu.memory_space<vmem_shared>>) target(%arg6 : memref<640xf32, #tpu.memory_space<vmem>>) target_semaphore(%run_scoped3A : memref<!tpu.dma_semaphore, #tpu.memory_space<semaphore_mem>>)
      %dma_wait3A = tpu.memref_slice %arg7[%mul3A_206] : memref<10240xf32, #tpu.memory_space<vmem_shared>> -> memref<640xf32, #tpu.memory_space<vmem_shared>>
      %dma_wait3A_210 = tpu.memref_slice %arg7[%mul3A_206] : memref<10240xf32, #tpu.memory_space<vmem_shared>> -> memref<640xf32, #tpu.memory_space<vmem_shared>>
      tpu.wait_dma2 semaphore(%run_scoped3A : memref<!tpu.dma_semaphore, #tpu.memory_space<semaphore_mem>>) src(%dma_wait3A_210 : memref<640xf32, #tpu.memory_space<vmem_shared>>) dst(%arg6 : memref<640xf32, #tpu.memory_space<vmem>>)
      tpu.yield
    }) : () -> ()
    %mul3A_207 = arith.constant 640 : i32
    %mul3A_208 = arith.muli %arg1, %mul3A_207 : i32
    "tpu.region"() ({
      %run_scoped3A = tpu.sem_alloc : memref<!tpu.dma_semaphore, #tpu.memory_space<semaphore_mem>>
      %dma_start3A = tpu.memref_slice %arg3[%arg0, %mul3A_208] : memref<2x10240xf32, #tpu.memory_space<hbm>> -> memref<1x640xf32, #tpu.memory_space<hbm>>
      %dma_start3A_209 = tpu.memref_squeeze %dma_start3A : memref<1x640xf32, #tpu.memory_space<hbm>> -> memref<640xf32, #tpu.memory_space<hbm>>
      %dma_start3A_210 = tpu.memref_slice %arg3[%arg0, %mul3A_208] : memref<2x10240xf32, #tpu.memory_space<hbm>> -> memref<1x640xf32, #tpu.memory_space<hbm>>
      %dma_start3A_211 = tpu.memref_squeeze %dma_start3A_210 : memref<1x640xf32, #tpu.memory_space<hbm>> -> memref<640xf32, #tpu.memory_space<hbm>>
      tpu.enqueue_dma source(%arg6 : memref<640xf32, #tpu.memory_space<vmem>>) target(%dma_start3A_211 : memref<640xf32, #tpu.memory_space<hbm>>) target_semaphore(%run_scoped3A : memref<!tpu.dma_semaphore, #tpu.memory_space<semaphore_mem>>)
      %dma_wait3A = tpu.memref_slice %arg3[%arg0, %mul3A_208] : memref<2x10240xf32, #tpu.memory_space<hbm>> -> memref<1x640xf32, #tpu.memory_space<hbm>>
      %dma_wait3A_212 = tpu.memref_squeeze %dma_wait3A : memref<1x640xf32, #tpu.memory_space<hbm>> -> memref<640xf32, #tpu.memory_space<hbm>>
      %dma_wait3A_213 = tpu.memref_slice %arg3[%arg0, %mul3A_208] : memref<2x10240xf32, #tpu.memory_space<hbm>> -> memref<1x640xf32, #tpu.memory_space<hbm>>
      %dma_wait3A_214 = tpu.memref_squeeze %dma_wait3A_213 : memref<1x640xf32, #tpu.memory_space<hbm>> -> memref<640xf32, #tpu.memory_space<hbm>>
      tpu.wait_dma2 semaphore(%run_scoped3A : memref<!tpu.dma_semaphore, #tpu.memory_space<semaphore_mem>>) src(%arg6 : memref<640xf32, #tpu.memory_space<vmem>>) dst(%dma_wait3A_214 : memref<640xf32, #tpu.memory_space<hbm>>)
      tpu.yield
    }) : () -> ()
    return
  }
}

#map = affine_map<(d0, d1) -> (0, 0)>
#map1 = affine_map<(d0, d1) -> (0, 0, 0)>
module attributes {stable_mosaic.version = 14 : i64} {
  func.func @_agg_body(%arg0: i32, %arg1: i32, %arg2: memref<10240x128xf32, #tpu.memory_space<hbm>>, %arg3: memref<1280x128xi32, #tpu.memory_space<hbm>>, %arg4: memref<1280x128xi32, #tpu.memory_space<hbm>>, %arg5: memref<2x10240x128xf32, #tpu.memory_space<hbm>>, %arg6: memref<40x128xi32, #tpu.memory_space<vmem>>, %arg7: memref<40x128xi32, #tpu.memory_space<vmem>>, %arg8: memref<128x128xf32, #tpu.memory_space<vmem>>, %arg9: memref<128x128xf32, #tpu.memory_space<vmem>>, %arg10: memref<10240x128xf32, #tpu.memory_space<vmem_shared>>, %arg11: memref<!tpu.dma_semaphore, #tpu.memory_space<semaphore_mem>>, %arg12: memref<!tpu.dma_semaphore, #tpu.memory_space<semaphore_mem>>) attributes {dimension_semantics = [#tpu.dimension_semantics<core_parallel>, #tpu.dimension_semantics<subcore_parallel>], iteration_bounds = array<i64: 2, 16>, scalar_prefetch = 0 : i64, scratch_operands = 7 : i64, tpu.core_type = #tpu.core_type<sc_vector_subcore>, window_params = [{transform_indices = #map}, {transform_indices = #map}, {transform_indices = #map}, {transform_indices = #map1}]} {
    %mul3A = arith.constant 16 : i32
    %mul3A_0 = arith.muli %arg0, %mul3A : i32
    %add3A = arith.addi %mul3A_0, %arg1 : i32
    %mul3A_1 = arith.constant 40 : i32
    %mul3A_2 = arith.muli %add3A, %mul3A_1 : i32
    %dma_start3A = arith.constant 0 : i32
    %dma_start3A_3 = tpu.memref_slice %arg3[%mul3A_2, %dma_start3A] : memref<1280x128xi32, #tpu.memory_space<hbm>> -> memref<40x128xi32, #tpu.memory_space<hbm>>
    %dma_start3A_4 = arith.constant 0 : i32
    %dma_start3A_5 = tpu.memref_slice %arg3[%mul3A_2, %dma_start3A_4] : memref<1280x128xi32, #tpu.memory_space<hbm>> -> memref<40x128xi32, #tpu.memory_space<hbm>>
    tpu.enqueue_dma source(%dma_start3A_5 : memref<40x128xi32, #tpu.memory_space<hbm>>) target(%arg6 : memref<40x128xi32, #tpu.memory_space<vmem>>) target_semaphore(%arg11 : memref<!tpu.dma_semaphore, #tpu.memory_space<semaphore_mem>>)
    %mul3A_6 = arith.constant 40 : i32
    %mul3A_7 = arith.muli %add3A, %mul3A_6 : i32
    %dma_start3A_8 = arith.constant 0 : i32
    %dma_start3A_9 = tpu.memref_slice %arg4[%mul3A_7, %dma_start3A_8] : memref<1280x128xi32, #tpu.memory_space<hbm>> -> memref<40x128xi32, #tpu.memory_space<hbm>>
    %dma_start3A_10 = arith.constant 0 : i32
    %dma_start3A_11 = tpu.memref_slice %arg4[%mul3A_7, %dma_start3A_10] : memref<1280x128xi32, #tpu.memory_space<hbm>> -> memref<40x128xi32, #tpu.memory_space<hbm>>
    tpu.enqueue_dma source(%dma_start3A_11 : memref<40x128xi32, #tpu.memory_space<hbm>>) target(%arg7 : memref<40x128xi32, #tpu.memory_space<vmem>>) target_semaphore(%arg12 : memref<!tpu.dma_semaphore, #tpu.memory_space<semaphore_mem>>)
    %broadcast_in_dim3A = arith.constant 0.000000e+00 : f32
    %broadcast_in_dim3A_12 = vector.broadcast %broadcast_in_dim3A : f32 to vector<16xf32>
    %scan3A = arith.constant 0 : i32
    %scan3A_13 = arith.constant 0 : i32
    %scan3A_14 = arith.constant 128 : i32
    %scan3A_15 = arith.addi %scan3A_13, %scan3A_14 : i32
    %scan3A_16 = arith.constant 1 : i32
    scf.for %scan3A_161 = %scan3A_13 to %scan3A_15 step %scan3A_16  : i32 {
      %swap3A = arith.index_cast %scan3A_161 : i32 to index
      %swap3A_162 = arith.constant 0 : index
      %swap3A_163 = tpu.vector_load %arg8[%swap3A, %swap3A_162] {strides = array<i32>} : memref<128x128xf32, #tpu.memory_space<vmem>>, vector<1x16xf32>,
      %swap3A_164 = vector.shape_cast %swap3A_163 : vector<1x16xf32> to vector<16xf32>
      %swap3A_165 = vector.shape_cast %broadcast_in_dim3A_12 : vector<16xf32> to vector<1x16xf32>
      tpu.vector_store %arg8[%swap3A, %swap3A_162], %swap3A_165 {strides = array<i32>} : memref<128x128xf32, #tpu.memory_space<vmem>>, vector<1x16xf32>,
      %swap3A_166 = arith.index_cast %scan3A_161 : i32 to index
      %swap3A_167 = arith.constant 16 : index
      %swap3A_168 = tpu.vector_load %arg8[%swap3A_166, %swap3A_167] {strides = array<i32>} : memref<128x128xf32, #tpu.memory_space<vmem>>, vector<1x16xf32>,
      %swap3A_169 = vector.shape_cast %swap3A_168 : vector<1x16xf32> to vector<16xf32>
      %swap3A_170 = vector.shape_cast %broadcast_in_dim3A_12 : vector<16xf32> to vector<1x16xf32>
      tpu.vector_store %arg8[%swap3A_166, %swap3A_167], %swap3A_170 {strides = array<i32>} : memref<128x128xf32, #tpu.memory_space<vmem>>, vector<1x16xf32>,
      %swap3A_171 = arith.index_cast %scan3A_161 : i32 to index
      %swap3A_172 = arith.constant 32 : index
      %swap3A_173 = tpu.vector_load %arg8[%swap3A_171, %swap3A_172] {strides = array<i32>} : memref<128x128xf32, #tpu.memory_space<vmem>>, vector<1x16xf32>,
      %swap3A_174 = vector.shape_cast %swap3A_173 : vector<1x16xf32> to vector<16xf32>
      %swap3A_175 = vector.shape_cast %broadcast_in_dim3A_12 : vector<16xf32> to vector<1x16xf32>
      tpu.vector_store %arg8[%swap3A_171, %swap3A_172], %swap3A_175 {strides = array<i32>} : memref<128x128xf32, #tpu.memory_space<vmem>>, vector<1x16xf32>,
      %swap3A_176 = arith.index_cast %scan3A_161 : i32 to index
      %swap3A_177 = arith.constant 48 : index
      %swap3A_178 = tpu.vector_load %arg8[%swap3A_176, %swap3A_177] {strides = array<i32>} : memref<128x128xf32, #tpu.memory_space<vmem>>, vector<1x16xf32>,
      %swap3A_179 = vector.shape_cast %swap3A_178 : vector<1x16xf32> to vector<16xf32>
      %swap3A_180 = vector.shape_cast %broadcast_in_dim3A_12 : vector<16xf32> to vector<1x16xf32>
      tpu.vector_store %arg8[%swap3A_176, %swap3A_177], %swap3A_180 {strides = array<i32>} : memref<128x128xf32, #tpu.memory_space<vmem>>, vector<1x16xf32>,
      %swap3A_181 = arith.index_cast %scan3A_161 : i32 to index
      %swap3A_182 = arith.constant 64 : index
      %swap3A_183 = tpu.vector_load %arg8[%swap3A_181, %swap3A_182] {strides = array<i32>} : memref<128x128xf32, #tpu.memory_space<vmem>>, vector<1x16xf32>,
      %swap3A_184 = vector.shape_cast %swap3A_183 : vector<1x16xf32> to vector<16xf32>
      %swap3A_185 = vector.shape_cast %broadcast_in_dim3A_12 : vector<16xf32> to vector<1x16xf32>
      tpu.vector_store %arg8[%swap3A_181, %swap3A_182], %swap3A_185 {strides = array<i32>} : memref<128x128xf32, #tpu.memory_space<vmem>>, vector<1x16xf32>,
      %swap3A_186 = arith.index_cast %scan3A_161 : i32 to index
      %swap3A_187 = arith.constant 80 : index
      %swap3A_188 = tpu.vector_load %arg8[%swap3A_186, %swap3A_187] {strides = array<i32>} : memref<128x128xf32, #tpu.memory_space<vmem>>, vector<1x16xf32>,
      %swap3A_189 = vector.shape_cast %swap3A_188 : vector<1x16xf32> to vector<16xf32>
      %swap3A_190 = vector.shape_cast %broadcast_in_dim3A_12 : vector<16xf32> to vector<1x16xf32>
      tpu.vector_store %arg8[%swap3A_186, %swap3A_187], %swap3A_190 {strides = array<i32>} : memref<128x128xf32, #tpu.memory_space<vmem>>, vector<1x16xf32>,
      %swap3A_191 = arith.index_cast %scan3A_161 : i32 to index
      %swap3A_192 = arith.constant 96 : index
      %swap3A_193 = tpu.vector_load %arg8[%swap3A_191, %swap3A_192] {strides = array<i32>} : memref<128x128xf32, #tpu.memory_space<vmem>>, vector<1x16xf32>,
      %swap3A_194 = vector.shape_cast %swap3A_193 : vector<1x16xf32> to vector<16xf32>
      %swap3A_195 = vector.shape_cast %broadcast_in_dim3A_12 : vector<16xf32> to vector<1x16xf32>
      tpu.vector_store %arg8[%swap3A_191, %swap3A_192], %swap3A_195 {strides = array<i32>} : memref<128x128xf32, #tpu.memory_space<vmem>>, vector<1x16xf32>,
      %swap3A_196 = arith.index_cast %scan3A_161 : i32 to index
      %swap3A_197 = arith.constant 112 : index
      %swap3A_198 = tpu.vector_load %arg8[%swap3A_196, %swap3A_197] {strides = array<i32>} : memref<128x128xf32, #tpu.memory_space<vmem>>, vector<1x16xf32>,
      %swap3A_199 = vector.shape_cast %swap3A_198 : vector<1x16xf32> to vector<16xf32>
      %swap3A_200 = vector.shape_cast %broadcast_in_dim3A_12 : vector<16xf32> to vector<1x16xf32>
      tpu.vector_store %arg8[%swap3A_196, %swap3A_197], %swap3A_200 {strides = array<i32>} : memref<128x128xf32, #tpu.memory_space<vmem>>, vector<1x16xf32>,
    }
    %scan3A_17 = arith.constant 128 : i32
    %mul3A_18 = arith.constant 640 : i32
    %mul3A_19 = arith.muli %arg1, %mul3A_18 : i32
    %add3A_20 = arith.constant 0 : i32
    %add3A_21 = arith.addi %mul3A_19, %add3A_20 : i32
    "tpu.region"() ({
      %run_scoped3A_161 = tpu.sem_alloc : memref<!tpu.dma_semaphore, #tpu.memory_space<semaphore_mem>>
      %dma_start3A_162 = arith.constant 0 : i32
      %dma_start3A_163 = tpu.memref_slice %arg10[%add3A_21, %dma_start3A_162] : memref<10240x128xf32, #tpu.memory_space<vmem_shared>> -> memref<128x128xf32, #tpu.memory_space<vmem_shared>>
      %dma_start3A_164 = arith.constant 0 : i32
      %dma_start3A_165 = tpu.memref_slice %arg10[%add3A_21, %dma_start3A_164] : memref<10240x128xf32, #tpu.memory_space<vmem_shared>> -> memref<128x128xf32, #tpu.memory_space<vmem_shared>>
      tpu.enqueue_dma source(%arg8 : memref<128x128xf32, #tpu.memory_space<vmem>>) target(%dma_start3A_165 : memref<128x128xf32, #tpu.memory_space<vmem_shared>>) target_semaphore(%run_scoped3A_161 : memref<!tpu.dma_semaphore, #tpu.memory_space<semaphore_mem>>)
      %dma_wait3A_166 = arith.constant 0 : i32
      %dma_wait3A_167 = tpu.memref_slice %arg10[%add3A_21, %dma_wait3A_166] : memref<10240x128xf32, #tpu.memory_space<vmem_shared>> -> memref<128x128xf32, #tpu.memory_space<vmem_shared>>
      %dma_wait3A_168 = arith.constant 0 : i32
      %dma_wait3A_169 = tpu.memref_slice %arg10[%add3A_21, %dma_wait3A_168] : memref<10240x128xf32, #tpu.memory_space<vmem_shared>> -> memref<128x128xf32, #tpu.memory_space<vmem_shared>>
      tpu.wait_dma2 semaphore(%run_scoped3A_161 : memref<!tpu.dma_semaphore, #tpu.memory_space<semaphore_mem>>) src(%arg8 : memref<128x128xf32, #tpu.memory_space<vmem>>) dst(%dma_wait3A_169 : memref<128x128xf32, #tpu.memory_space<vmem_shared>>)
      tpu.yield
    }) : () -> ()
    %mul3A_22 = arith.constant 640 : i32
    %mul3A_23 = arith.muli %arg1, %mul3A_22 : i32
    %add3A_24 = arith.constant 128 : i32
    %add3A_25 = arith.addi %mul3A_23, %add3A_24 : i32
    "tpu.region"() ({
      %run_scoped3A_161 = tpu.sem_alloc : memref<!tpu.dma_semaphore, #tpu.memory_space<semaphore_mem>>
      %dma_start3A_162 = arith.constant 0 : i32
      %dma_start3A_163 = tpu.memref_slice %arg10[%add3A_25, %dma_start3A_162] : memref<10240x128xf32, #tpu.memory_space<vmem_shared>> -> memref<128x128xf32, #tpu.memory_space<vmem_shared>>
      %dma_start3A_164 = arith.constant 0 : i32
      %dma_start3A_165 = tpu.memref_slice %arg10[%add3A_25, %dma_start3A_164] : memref<10240x128xf32, #tpu.memory_space<vmem_shared>> -> memref<128x128xf32, #tpu.memory_space<vmem_shared>>
      tpu.enqueue_dma source(%arg8 : memref<128x128xf32, #tpu.memory_space<vmem>>) target(%dma_start3A_165 : memref<128x128xf32, #tpu.memory_space<vmem_shared>>) target_semaphore(%run_scoped3A_161 : memref<!tpu.dma_semaphore, #tpu.memory_space<semaphore_mem>>)
      %dma_wait3A_166 = arith.constant 0 : i32
      %dma_wait3A_167 = tpu.memref_slice %arg10[%add3A_25, %dma_wait3A_166] : memref<10240x128xf32, #tpu.memory_space<vmem_shared>> -> memref<128x128xf32, #tpu.memory_space<vmem_shared>>
      %dma_wait3A_168 = arith.constant 0 : i32
      %dma_wait3A_169 = tpu.memref_slice %arg10[%add3A_25, %dma_wait3A_168] : memref<10240x128xf32, #tpu.memory_space<vmem_shared>> -> memref<128x128xf32, #tpu.memory_space<vmem_shared>>
      tpu.wait_dma2 semaphore(%run_scoped3A_161 : memref<!tpu.dma_semaphore, #tpu.memory_space<semaphore_mem>>) src(%arg8 : memref<128x128xf32, #tpu.memory_space<vmem>>) dst(%dma_wait3A_169 : memref<128x128xf32, #tpu.memory_space<vmem_shared>>)
      tpu.yield
    }) : () -> ()
    %mul3A_26 = arith.constant 640 : i32
    %mul3A_27 = arith.muli %arg1, %mul3A_26 : i32
    %add3A_28 = arith.constant 256 : i32
    %add3A_29 = arith.addi %mul3A_27, %add3A_28 : i32
    "tpu.region"() ({
      %run_scoped3A_161 = tpu.sem_alloc : memref<!tpu.dma_semaphore, #tpu.memory_space<semaphore_mem>>
      %dma_start3A_162 = arith.constant 0 : i32
      %dma_start3A_163 = tpu.memref_slice %arg10[%add3A_29, %dma_start3A_162] : memref<10240x128xf32, #tpu.memory_space<vmem_shared>> -> memref<128x128xf32, #tpu.memory_space<vmem_shared>>
      %dma_start3A_164 = arith.constant 0 : i32
      %dma_start3A_165 = tpu.memref_slice %arg10[%add3A_29, %dma_start3A_164] : memref<10240x128xf32, #tpu.memory_space<vmem_shared>> -> memref<128x128xf32, #tpu.memory_space<vmem_shared>>
      tpu.enqueue_dma source(%arg8 : memref<128x128xf32, #tpu.memory_space<vmem>>) target(%dma_start3A_165 : memref<128x128xf32, #tpu.memory_space<vmem_shared>>) target_semaphore(%run_scoped3A_161 : memref<!tpu.dma_semaphore, #tpu.memory_space<semaphore_mem>>)
      %dma_wait3A_166 = arith.constant 0 : i32
      %dma_wait3A_167 = tpu.memref_slice %arg10[%add3A_29, %dma_wait3A_166] : memref<10240x128xf32, #tpu.memory_space<vmem_shared>> -> memref<128x128xf32, #tpu.memory_space<vmem_shared>>
      %dma_wait3A_168 = arith.constant 0 : i32
      %dma_wait3A_169 = tpu.memref_slice %arg10[%add3A_29, %dma_wait3A_168] : memref<10240x128xf32, #tpu.memory_space<vmem_shared>> -> memref<128x128xf32, #tpu.memory_space<vmem_shared>>
      tpu.wait_dma2 semaphore(%run_scoped3A_161 : memref<!tpu.dma_semaphore, #tpu.memory_space<semaphore_mem>>) src(%arg8 : memref<128x128xf32, #tpu.memory_space<vmem>>) dst(%dma_wait3A_169 : memref<128x128xf32, #tpu.memory_space<vmem_shared>>)
      tpu.yield
    }) : () -> ()
    %mul3A_30 = arith.constant 640 : i32
    %mul3A_31 = arith.muli %arg1, %mul3A_30 : i32
    %add3A_32 = arith.constant 384 : i32
    %add3A_33 = arith.addi %mul3A_31, %add3A_32 : i32
    "tpu.region"() ({
      %run_scoped3A_161 = tpu.sem_alloc : memref<!tpu.dma_semaphore, #tpu.memory_space<semaphore_mem>>
      %dma_start3A_162 = arith.constant 0 : i32
      %dma_start3A_163 = tpu.memref_slice %arg10[%add3A_33, %dma_start3A_162] : memref<10240x128xf32, #tpu.memory_space<vmem_shared>> -> memref<128x128xf32, #tpu.memory_space<vmem_shared>>
      %dma_start3A_164 = arith.constant 0 : i32
      %dma_start3A_165 = tpu.memref_slice %arg10[%add3A_33, %dma_start3A_164] : memref<10240x128xf32, #tpu.memory_space<vmem_shared>> -> memref<128x128xf32, #tpu.memory_space<vmem_shared>>
      tpu.enqueue_dma source(%arg8 : memref<128x128xf32, #tpu.memory_space<vmem>>) target(%dma_start3A_165 : memref<128x128xf32, #tpu.memory_space<vmem_shared>>) target_semaphore(%run_scoped3A_161 : memref<!tpu.dma_semaphore, #tpu.memory_space<semaphore_mem>>)
      %dma_wait3A_166 = arith.constant 0 : i32
      %dma_wait3A_167 = tpu.memref_slice %arg10[%add3A_33, %dma_wait3A_166] : memref<10240x128xf32, #tpu.memory_space<vmem_shared>> -> memref<128x128xf32, #tpu.memory_space<vmem_shared>>
      %dma_wait3A_168 = arith.constant 0 : i32
      %dma_wait3A_169 = tpu.memref_slice %arg10[%add3A_33, %dma_wait3A_168] : memref<10240x128xf32, #tpu.memory_space<vmem_shared>> -> memref<128x128xf32, #tpu.memory_space<vmem_shared>>
      tpu.wait_dma2 semaphore(%run_scoped3A_161 : memref<!tpu.dma_semaphore, #tpu.memory_space<semaphore_mem>>) src(%arg8 : memref<128x128xf32, #tpu.memory_space<vmem>>) dst(%dma_wait3A_169 : memref<128x128xf32, #tpu.memory_space<vmem_shared>>)
      tpu.yield
    }) : () -> ()
    %mul3A_34 = arith.constant 640 : i32
    %mul3A_35 = arith.muli %arg1, %mul3A_34 : i32
    %add3A_36 = arith.constant 512 : i32
    %add3A_37 = arith.addi %mul3A_35, %add3A_36 : i32
    "tpu.region"() ({
      %run_scoped3A_161 = tpu.sem_alloc : memref<!tpu.dma_semaphore, #tpu.memory_space<semaphore_mem>>
      %dma_start3A_162 = arith.constant 0 : i32
      %dma_start3A_163 = tpu.memref_slice %arg10[%add3A_37, %dma_start3A_162] : memref<10240x128xf32, #tpu.memory_space<vmem_shared>> -> memref<128x128xf32, #tpu.memory_space<vmem_shared>>
      %dma_start3A_164 = arith.constant 0 : i32
      %dma_start3A_165 = tpu.memref_slice %arg10[%add3A_37, %dma_start3A_164] : memref<10240x128xf32, #tpu.memory_space<vmem_shared>> -> memref<128x128xf32, #tpu.memory_space<vmem_shared>>
      tpu.enqueue_dma source(%arg8 : memref<128x128xf32, #tpu.memory_space<vmem>>) target(%dma_start3A_165 : memref<128x128xf32, #tpu.memory_space<vmem_shared>>) target_semaphore(%run_scoped3A_161 : memref<!tpu.dma_semaphore, #tpu.memory_space<semaphore_mem>>)
      %dma_wait3A_166 = arith.constant 0 : i32
      %dma_wait3A_167 = tpu.memref_slice %arg10[%add3A_37, %dma_wait3A_166] : memref<10240x128xf32, #tpu.memory_space<vmem_shared>> -> memref<128x128xf32, #tpu.memory_space<vmem_shared>>
      %dma_wait3A_168 = arith.constant 0 : i32
      %dma_wait3A_169 = tpu.memref_slice %arg10[%add3A_37, %dma_wait3A_168] : memref<10240x128xf32, #tpu.memory_space<vmem_shared>> -> memref<128x128xf32, #tpu.memory_space<vmem_shared>>
      tpu.wait_dma2 semaphore(%run_scoped3A_161 : memref<!tpu.dma_semaphore, #tpu.memory_space<semaphore_mem>>) src(%arg8 : memref<128x128xf32, #tpu.memory_space<vmem>>) dst(%dma_wait3A_169 : memref<128x128xf32, #tpu.memory_space<vmem_shared>>)
      tpu.yield
    }) : () -> ()
    %dma_wait3A = arith.constant 0 : i32
    %dma_wait3A_38 = tpu.memref_slice %arg3[%mul3A_2, %dma_wait3A] : memref<1280x128xi32, #tpu.memory_space<hbm>> -> memref<40x128xi32, #tpu.memory_space<hbm>>
    %dma_wait3A_39 = arith.constant 0 : i32
    %dma_wait3A_40 = tpu.memref_slice %arg3[%mul3A_2, %dma_wait3A_39] : memref<1280x128xi32, #tpu.memory_space<hbm>> -> memref<40x128xi32, #tpu.memory_space<hbm>>
    tpu.wait_dma2 semaphore(%arg11 : memref<!tpu.dma_semaphore, #tpu.memory_space<semaphore_mem>>) src(%dma_wait3A_40 : memref<40x128xi32, #tpu.memory_space<hbm>>) dst(%arg6 : memref<40x128xi32, #tpu.memory_space<vmem>>)
    %dma_wait3A_41 = arith.constant 0 : i32
    %dma_wait3A_42 = tpu.memref_slice %arg4[%mul3A_7, %dma_wait3A_41] : memref<1280x128xi32, #tpu.memory_space<hbm>> -> memref<40x128xi32, #tpu.memory_space<hbm>>
    %dma_wait3A_43 = arith.constant 0 : i32
    %dma_wait3A_44 = tpu.memref_slice %arg4[%mul3A_7, %dma_wait3A_43] : memref<1280x128xi32, #tpu.memory_space<hbm>> -> memref<40x128xi32, #tpu.memory_space<hbm>>
    tpu.wait_dma2 semaphore(%arg12 : memref<!tpu.dma_semaphore, #tpu.memory_space<semaphore_mem>>) src(%dma_wait3A_44 : memref<40x128xi32, #tpu.memory_space<hbm>>) dst(%arg7 : memref<40x128xi32, #tpu.memory_space<vmem>>)
    %barrier3A = arith.constant 0 : index
    tpu.barrier barrier_id(%barrier3A)
    %dma_start3A_45 = arith.constant 0 : i32
    %dma_start3A_46 = arith.constant 0 : i32
    %dma_start3A_47 = tpu.memref_slice %arg6[%dma_start3A_45, %dma_start3A_46] : memref<40x128xi32, #tpu.memory_space<vmem>> -> memref<1x128xi32, #tpu.memory_space<vmem>>
    %dma_start3A_48 = tpu.memref_squeeze %dma_start3A_47 : memref<1x128xi32, #tpu.memory_space<vmem>> -> memref<128xi32, #tpu.memory_space<vmem>>
    %dma_start3A_49 = arith.constant 0 : i32
    %dma_start3A_50 = arith.constant 0 : i32
    %dma_start3A_51 = tpu.memref_slice %arg2[%dma_start3A_49, %dma_start3A_50] : memref<10240x128xf32, #tpu.memory_space<hbm>> -> memref<10240x128xf32, #tpu.memory_space<hbm>>
    tpu.enqueue_indirect_dma source(%dma_start3A_51 : memref<10240x128xf32, #tpu.memory_space<hbm>>) target(%arg8 : memref<128x128xf32, #tpu.memory_space<vmem>>) offsets(%dma_start3A_48 : memref<128xi32, #tpu.memory_space<vmem>>) semaphore(%arg11 : memref<!tpu.dma_semaphore, #tpu.memory_space<semaphore_mem>>)
    %scan3A_52 = arith.constant 0 : i32
    %scan3A_53 = arith.constant 0 : i32
    %scan3A_54 = arith.constant 19 : i32
    %scan3A_55 = arith.addi %scan3A_53, %scan3A_54 : i32
    %scan3A_56 = arith.constant 1 : i32
    scf.for %scan3A_161 = %scan3A_53 to %scan3A_55 step %scan3A_56  : i32 {
      %mul3A_162 = arith.constant 2 : i32
      %mul3A_163 = arith.muli %mul3A_162, %scan3A_161 : i32
      %mul3A_164 = arith.constant 2 : i32
      %mul3A_165 = arith.muli %mul3A_164, %scan3A_161 : i32
      %add3A_166 = arith.constant 1 : i32
      %add3A_167 = arith.addi %mul3A_165, %add3A_166 : i32
      %dma_start3A_168 = arith.constant 0 : i32
      %dma_start3A_169 = tpu.memref_slice %arg6[%add3A_167, %dma_start3A_168] : memref<40x128xi32, #tpu.memory_space<vmem>> -> memref<1x128xi32, #tpu.memory_space<vmem>>
      %dma_start3A_170 = tpu.memref_squeeze %dma_start3A_169 : memref<1x128xi32, #tpu.memory_space<vmem>> -> memref<128xi32, #tpu.memory_space<vmem>>
      %dma_start3A_171 = arith.constant 0 : i32
      %dma_start3A_172 = arith.constant 0 : i32
      %dma_start3A_173 = tpu.memref_slice %arg2[%dma_start3A_171, %dma_start3A_172] : memref<10240x128xf32, #tpu.memory_space<hbm>> -> memref<10240x128xf32, #tpu.memory_space<hbm>>
      tpu.enqueue_indirect_dma source(%dma_start3A_173 : memref<10240x128xf32, #tpu.memory_space<hbm>>) target(%arg9 : memref<128x128xf32, #tpu.memory_space<vmem>>) offsets(%dma_start3A_170 : memref<128xi32, #tpu.memory_space<vmem>>) semaphore(%arg12 : memref<!tpu.dma_semaphore, #tpu.memory_space<semaphore_mem>>)
      %dma_wait3A_174 = arith.constant 0 : i32
      %dma_wait3A_175 = tpu.memref_slice %arg6[%mul3A_163, %dma_wait3A_174] : memref<40x128xi32, #tpu.memory_space<vmem>> -> memref<1x128xi32, #tpu.memory_space<vmem>>
      %dma_wait3A_176 = tpu.memref_squeeze %dma_wait3A_175 : memref<1x128xi32, #tpu.memory_space<vmem>> -> memref<128xi32, #tpu.memory_space<vmem>>
      %dma_wait3A_177 = arith.constant 0 : i32
      %dma_wait3A_178 = arith.constant 0 : i32
      %dma_wait3A_179 = tpu.memref_slice %arg2[%dma_wait3A_177, %dma_wait3A_178] : memref<10240x128xf32, #tpu.memory_space<hbm>> -> memref<10240x128xf32, #tpu.memory_space<hbm>>
      tpu.wait_indirect_dma semaphore(%arg11 : memref<!tpu.dma_semaphore, #tpu.memory_space<semaphore_mem>>) src(%dma_wait3A_179 : memref<10240x128xf32, #tpu.memory_space<hbm>>) dst(%arg8 : memref<128x128xf32, #tpu.memory_space<vmem>>)
      "tpu.region"() ({
        %run_scoped3A_194 = tpu.sem_alloc : memref<!tpu.dma_semaphore, #tpu.memory_space<semaphore_mem>>
        %dma_start3A_195 = arith.constant 0 : i32
        %dma_start3A_196 = tpu.memref_slice %arg7[%mul3A_163, %dma_start3A_195] : memref<40x128xi32, #tpu.memory_space<vmem>> -> memref<1x128xi32, #tpu.memory_space<vmem>>
        %dma_start3A_197 = tpu.memref_squeeze %dma_start3A_196 : memref<1x128xi32, #tpu.memory_space<vmem>> -> memref<128xi32, #tpu.memory_space<vmem>>
        %dma_start3A_198 = arith.constant 0 : i32
        %dma_start3A_199 = arith.constant 0 : i32
        %dma_start3A_200 = tpu.memref_slice %arg10[%dma_start3A_198, %dma_start3A_199] : memref<10240x128xf32, #tpu.memory_space<vmem_shared>> -> memref<10240x128xf32, #tpu.memory_space<vmem_shared>>
        tpu.enqueue_indirect_dma source(%arg8 : memref<128x128xf32, #tpu.memory_space<vmem>>) target(%dma_start3A_200 : memref<10240x128xf32, #tpu.memory_space<vmem_shared>>) offsets(%dma_start3A_197 : memref<128xi32, #tpu.memory_space<vmem>>) semaphore(%run_scoped3A_194 : memref<!tpu.dma_semaphore, #tpu.memory_space<semaphore_mem>>) {add = true}
        %dma_wait3A_201 = arith.constant 0 : i32
        %dma_wait3A_202 = tpu.memref_slice %arg7[%mul3A_163, %dma_wait3A_201] : memref<40x128xi32, #tpu.memory_space<vmem>> -> memref<1x128xi32, #tpu.memory_space<vmem>>
        %dma_wait3A_203 = tpu.memref_squeeze %dma_wait3A_202 : memref<1x128xi32, #tpu.memory_space<vmem>> -> memref<128xi32, #tpu.memory_space<vmem>>
        %dma_wait3A_204 = arith.constant 0 : i32
        %dma_wait3A_205 = arith.constant 0 : i32
        %dma_wait3A_206 = tpu.memref_slice %arg10[%dma_wait3A_204, %dma_wait3A_205] : memref<10240x128xf32, #tpu.memory_space<vmem_shared>> -> memref<10240x128xf32, #tpu.memory_space<vmem_shared>>
        tpu.wait_indirect_dma semaphore(%run_scoped3A_194 : memref<!tpu.dma_semaphore, #tpu.memory_space<semaphore_mem>>) src(%arg8 : memref<128x128xf32, #tpu.memory_space<vmem>>) dst(%dma_wait3A_206 : memref<10240x128xf32, #tpu.memory_space<vmem_shared>>)
        tpu.yield
      }) : () -> ()
      %add3A_180 = arith.constant 2 : i32
      %add3A_181 = arith.addi %mul3A_163, %add3A_180 : i32
      %dma_start3A_182 = arith.constant 0 : i32
      %dma_start3A_183 = tpu.memref_slice %arg6[%add3A_181, %dma_start3A_182] : memref<40x128xi32, #tpu.memory_space<vmem>> -> memref<1x128xi32, #tpu.memory_space<vmem>>
      %dma_start3A_184 = tpu.memref_squeeze %dma_start3A_183 : memref<1x128xi32, #tpu.memory_space<vmem>> -> memref<128xi32, #tpu.memory_space<vmem>>
      %dma_start3A_185 = arith.constant 0 : i32
      %dma_start3A_186 = arith.constant 0 : i32
      %dma_start3A_187 = tpu.memref_slice %arg2[%dma_start3A_185, %dma_start3A_186] : memref<10240x128xf32, #tpu.memory_space<hbm>> -> memref<10240x128xf32, #tpu.memory_space<hbm>>
      tpu.enqueue_indirect_dma source(%dma_start3A_187 : memref<10240x128xf32, #tpu.memory_space<hbm>>) target(%arg8 : memref<128x128xf32, #tpu.memory_space<vmem>>) offsets(%dma_start3A_184 : memref<128xi32, #tpu.memory_space<vmem>>) semaphore(%arg11 : memref<!tpu.dma_semaphore, #tpu.memory_space<semaphore_mem>>)
      %dma_wait3A_188 = arith.constant 0 : i32
      %dma_wait3A_189 = tpu.memref_slice %arg6[%add3A_167, %dma_wait3A_188] : memref<40x128xi32, #tpu.memory_space<vmem>> -> memref<1x128xi32, #tpu.memory_space<vmem>>
      %dma_wait3A_190 = tpu.memref_squeeze %dma_wait3A_189 : memref<1x128xi32, #tpu.memory_space<vmem>> -> memref<128xi32, #tpu.memory_space<vmem>>
      %dma_wait3A_191 = arith.constant 0 : i32
      %dma_wait3A_192 = arith.constant 0 : i32
      %dma_wait3A_193 = tpu.memref_slice %arg2[%dma_wait3A_191, %dma_wait3A_192] : memref<10240x128xf32, #tpu.memory_space<hbm>> -> memref<10240x128xf32, #tpu.memory_space<hbm>>
      tpu.wait_indirect_dma semaphore(%arg12 : memref<!tpu.dma_semaphore, #tpu.memory_space<semaphore_mem>>) src(%dma_wait3A_193 : memref<10240x128xf32, #tpu.memory_space<hbm>>) dst(%arg9 : memref<128x128xf32, #tpu.memory_space<vmem>>)
      "tpu.region"() ({
        %run_scoped3A_194 = tpu.sem_alloc : memref<!tpu.dma_semaphore, #tpu.memory_space<semaphore_mem>>
        %dma_start3A_195 = arith.constant 0 : i32
        %dma_start3A_196 = tpu.memref_slice %arg7[%add3A_167, %dma_start3A_195] : memref<40x128xi32, #tpu.memory_space<vmem>> -> memref<1x128xi32, #tpu.memory_space<vmem>>
        %dma_start3A_197 = tpu.memref_squeeze %dma_start3A_196 : memref<1x128xi32, #tpu.memory_space<vmem>> -> memref<128xi32, #tpu.memory_space<vmem>>
        %dma_start3A_198 = arith.constant 0 : i32
        %dma_start3A_199 = arith.constant 0 : i32
        %dma_start3A_200 = tpu.memref_slice %arg10[%dma_start3A_198, %dma_start3A_199] : memref<10240x128xf32, #tpu.memory_space<vmem_shared>> -> memref<10240x128xf32, #tpu.memory_space<vmem_shared>>
        tpu.enqueue_indirect_dma source(%arg9 : memref<128x128xf32, #tpu.memory_space<vmem>>) target(%dma_start3A_200 : memref<10240x128xf32, #tpu.memory_space<vmem_shared>>) offsets(%dma_start3A_197 : memref<128xi32, #tpu.memory_space<vmem>>) semaphore(%run_scoped3A_194 : memref<!tpu.dma_semaphore, #tpu.memory_space<semaphore_mem>>) {add = true}
        %dma_wait3A_201 = arith.constant 0 : i32
        %dma_wait3A_202 = tpu.memref_slice %arg7[%add3A_167, %dma_wait3A_201] : memref<40x128xi32, #tpu.memory_space<vmem>> -> memref<1x128xi32, #tpu.memory_space<vmem>>
        %dma_wait3A_203 = tpu.memref_squeeze %dma_wait3A_202 : memref<1x128xi32, #tpu.memory_space<vmem>> -> memref<128xi32, #tpu.memory_space<vmem>>
        %dma_wait3A_204 = arith.constant 0 : i32
        %dma_wait3A_205 = arith.constant 0 : i32
        %dma_wait3A_206 = tpu.memref_slice %arg10[%dma_wait3A_204, %dma_wait3A_205] : memref<10240x128xf32, #tpu.memory_space<vmem_shared>> -> memref<10240x128xf32, #tpu.memory_space<vmem_shared>>
        tpu.wait_indirect_dma semaphore(%run_scoped3A_194 : memref<!tpu.dma_semaphore, #tpu.memory_space<semaphore_mem>>) src(%arg9 : memref<128x128xf32, #tpu.memory_space<vmem>>) dst(%dma_wait3A_206 : memref<10240x128xf32, #tpu.memory_space<vmem_shared>>)
        tpu.yield
      }) : () -> ()
    }
    %scan3A_57 = arith.constant 19 : i32
    %dma_start3A_58 = arith.constant 39 : i32
    %dma_start3A_59 = arith.constant 0 : i32
    %dma_start3A_60 = tpu.memref_slice %arg6[%dma_start3A_58, %dma_start3A_59] : memref<40x128xi32, #tpu.memory_space<vmem>> -> memref<1x128xi32, #tpu.memory_space<vmem>>
    %dma_start3A_61 = tpu.memref_squeeze %dma_start3A_60 : memref<1x128xi32, #tpu.memory_space<vmem>> -> memref<128xi32, #tpu.memory_space<vmem>>
    %dma_start3A_62 = arith.constant 0 : i32
    %dma_start3A_63 = arith.constant 0 : i32
    %dma_start3A_64 = tpu.memref_slice %arg2[%dma_start3A_62, %dma_start3A_63] : memref<10240x128xf32, #tpu.memory_space<hbm>> -> memref<10240x128xf32, #tpu.memory_space<hbm>>
    tpu.enqueue_indirect_dma source(%dma_start3A_64 : memref<10240x128xf32, #tpu.memory_space<hbm>>) target(%arg9 : memref<128x128xf32, #tpu.memory_space<vmem>>) offsets(%dma_start3A_61 : memref<128xi32, #tpu.memory_space<vmem>>) semaphore(%arg12 : memref<!tpu.dma_semaphore, #tpu.memory_space<semaphore_mem>>)
    %dma_wait3A_65 = arith.constant 38 : i32
    %dma_wait3A_66 = arith.constant 0 : i32
    %dma_wait3A_67 = tpu.memref_slice %arg6[%dma_wait3A_65, %dma_wait3A_66] : memref<40x128xi32, #tpu.memory_space<vmem>> -> memref<1x128xi32, #tpu.memory_space<vmem>>
    %dma_wait3A_68 = tpu.memref_squeeze %dma_wait3A_67 : memref<1x128xi32, #tpu.memory_space<vmem>> -> memref<128xi32, #tpu.memory_space<vmem>>
    %dma_wait3A_69 = arith.constant 0 : i32
    %dma_wait3A_70 = arith.constant 0 : i32
    %dma_wait3A_71 = tpu.memref_slice %arg2[%dma_wait3A_69, %dma_wait3A_70] : memref<10240x128xf32, #tpu.memory_space<hbm>> -> memref<10240x128xf32, #tpu.memory_space<hbm>>
    tpu.wait_indirect_dma semaphore(%arg11 : memref<!tpu.dma_semaphore, #tpu.memory_space<semaphore_mem>>) src(%dma_wait3A_71 : memref<10240x128xf32, #tpu.memory_space<hbm>>) dst(%arg8 : memref<128x128xf32, #tpu.memory_space<vmem>>)
    %run_scoped3A = arith.constant 38 : i32
    "tpu.region"() ({
      %run_scoped3A_161 = tpu.sem_alloc : memref<!tpu.dma_semaphore, #tpu.memory_space<semaphore_mem>>
      %dma_start3A_162 = arith.constant 0 : i32
      %dma_start3A_163 = tpu.memref_slice %arg7[%run_scoped3A, %dma_start3A_162] : memref<40x128xi32, #tpu.memory_space<vmem>> -> memref<1x128xi32, #tpu.memory_space<vmem>>
      %dma_start3A_164 = tpu.memref_squeeze %dma_start3A_163 : memref<1x128xi32, #tpu.memory_space<vmem>> -> memref<128xi32, #tpu.memory_space<vmem>>
      %dma_start3A_165 = arith.constant 0 : i32
      %dma_start3A_166 = arith.constant 0 : i32
      %dma_start3A_167 = tpu.memref_slice %arg10[%dma_start3A_165, %dma_start3A_166] : memref<10240x128xf32, #tpu.memory_space<vmem_shared>> -> memref<10240x128xf32, #tpu.memory_space<vmem_shared>>
      tpu.enqueue_indirect_dma source(%arg8 : memref<128x128xf32, #tpu.memory_space<vmem>>) target(%dma_start3A_167 : memref<10240x128xf32, #tpu.memory_space<vmem_shared>>) offsets(%dma_start3A_164 : memref<128xi32, #tpu.memory_space<vmem>>) semaphore(%run_scoped3A_161 : memref<!tpu.dma_semaphore, #tpu.memory_space<semaphore_mem>>) {add = true}
      %dma_wait3A_168 = arith.constant 0 : i32
      %dma_wait3A_169 = tpu.memref_slice %arg7[%run_scoped3A, %dma_wait3A_168] : memref<40x128xi32, #tpu.memory_space<vmem>> -> memref<1x128xi32, #tpu.memory_space<vmem>>
      %dma_wait3A_170 = tpu.memref_squeeze %dma_wait3A_169 : memref<1x128xi32, #tpu.memory_space<vmem>> -> memref<128xi32, #tpu.memory_space<vmem>>
      %dma_wait3A_171 = arith.constant 0 : i32
      %dma_wait3A_172 = arith.constant 0 : i32
      %dma_wait3A_173 = tpu.memref_slice %arg10[%dma_wait3A_171, %dma_wait3A_172] : memref<10240x128xf32, #tpu.memory_space<vmem_shared>> -> memref<10240x128xf32, #tpu.memory_space<vmem_shared>>
      tpu.wait_indirect_dma semaphore(%run_scoped3A_161 : memref<!tpu.dma_semaphore, #tpu.memory_space<semaphore_mem>>) src(%arg8 : memref<128x128xf32, #tpu.memory_space<vmem>>) dst(%dma_wait3A_173 : memref<10240x128xf32, #tpu.memory_space<vmem_shared>>)
      tpu.yield
    }) : () -> ()
    %dma_wait3A_72 = arith.constant 39 : i32
    %dma_wait3A_73 = arith.constant 0 : i32
    %dma_wait3A_74 = tpu.memref_slice %arg6[%dma_wait3A_72, %dma_wait3A_73] : memref<40x128xi32, #tpu.memory_space<vmem>> -> memref<1x128xi32, #tpu.memory_space<vmem>>
    %dma_wait3A_75 = tpu.memref_squeeze %dma_wait3A_74 : memref<1x128xi32, #tpu.memory_space<vmem>> -> memref<128xi32, #tpu.memory_space<vmem>>
    %dma_wait3A_76 = arith.constant 0 : i32
    %dma_wait3A_77 = arith.constant 0 : i32
    %dma_wait3A_78 = tpu.memref_slice %arg2[%dma_wait3A_76, %dma_wait3A_77] : memref<10240x128xf32, #tpu.memory_space<hbm>> -> memref<10240x128xf32, #tpu.memory_space<hbm>>
    tpu.wait_indirect_dma semaphore(%arg12 : memref<!tpu.dma_semaphore, #tpu.memory_space<semaphore_mem>>) src(%dma_wait3A_78 : memref<10240x128xf32, #tpu.memory_space<hbm>>) dst(%arg9 : memref<128x128xf32, #tpu.memory_space<vmem>>)
    %run_scoped3A_79 = arith.constant 39 : i32
    "tpu.region"() ({
      %run_scoped3A_161 = tpu.sem_alloc : memref<!tpu.dma_semaphore, #tpu.memory_space<semaphore_mem>>
      %dma_start3A_162 = arith.constant 0 : i32
      %dma_start3A_163 = tpu.memref_slice %arg7[%run_scoped3A_79, %dma_start3A_162] : memref<40x128xi32, #tpu.memory_space<vmem>> -> memref<1x128xi32, #tpu.memory_space<vmem>>
      %dma_start3A_164 = tpu.memref_squeeze %dma_start3A_163 : memref<1x128xi32, #tpu.memory_space<vmem>> -> memref<128xi32, #tpu.memory_space<vmem>>
      %dma_start3A_165 = arith.constant 0 : i32
      %dma_start3A_166 = arith.constant 0 : i32
      %dma_start3A_167 = tpu.memref_slice %arg10[%dma_start3A_165, %dma_start3A_166] : memref<10240x128xf32, #tpu.memory_space<vmem_shared>> -> memref<10240x128xf32, #tpu.memory_space<vmem_shared>>
      tpu.enqueue_indirect_dma source(%arg9 : memref<128x128xf32, #tpu.memory_space<vmem>>) target(%dma_start3A_167 : memref<10240x128xf32, #tpu.memory_space<vmem_shared>>) offsets(%dma_start3A_164 : memref<128xi32, #tpu.memory_space<vmem>>) semaphore(%run_scoped3A_161 : memref<!tpu.dma_semaphore, #tpu.memory_space<semaphore_mem>>) {add = true}
      %dma_wait3A_168 = arith.constant 0 : i32
      %dma_wait3A_169 = tpu.memref_slice %arg7[%run_scoped3A_79, %dma_wait3A_168] : memref<40x128xi32, #tpu.memory_space<vmem>> -> memref<1x128xi32, #tpu.memory_space<vmem>>
      %dma_wait3A_170 = tpu.memref_squeeze %dma_wait3A_169 : memref<1x128xi32, #tpu.memory_space<vmem>> -> memref<128xi32, #tpu.memory_space<vmem>>
      %dma_wait3A_171 = arith.constant 0 : i32
      %dma_wait3A_172 = arith.constant 0 : i32
      %dma_wait3A_173 = tpu.memref_slice %arg10[%dma_wait3A_171, %dma_wait3A_172] : memref<10240x128xf32, #tpu.memory_space<vmem_shared>> -> memref<10240x128xf32, #tpu.memory_space<vmem_shared>>
      tpu.wait_indirect_dma semaphore(%run_scoped3A_161 : memref<!tpu.dma_semaphore, #tpu.memory_space<semaphore_mem>>) src(%arg9 : memref<128x128xf32, #tpu.memory_space<vmem>>) dst(%dma_wait3A_173 : memref<10240x128xf32, #tpu.memory_space<vmem_shared>>)
      tpu.yield
    }) : () -> ()
    %barrier3A_80 = arith.constant 0 : index
    tpu.barrier barrier_id(%barrier3A_80)
    %mul3A_81 = arith.constant 640 : i32
    %mul3A_82 = arith.muli %arg1, %mul3A_81 : i32
    %add3A_83 = arith.constant 0 : i32
    %add3A_84 = arith.addi %mul3A_82, %add3A_83 : i32
    "tpu.region"() ({
      %run_scoped3A_161 = tpu.sem_alloc : memref<!tpu.dma_semaphore, #tpu.memory_space<semaphore_mem>>
      %dma_start3A_162 = arith.constant 0 : i32
      %dma_start3A_163 = tpu.memref_slice %arg10[%add3A_84, %dma_start3A_162] : memref<10240x128xf32, #tpu.memory_space<vmem_shared>> -> memref<128x128xf32, #tpu.memory_space<vmem_shared>>
      %dma_start3A_164 = arith.constant 0 : i32
      %dma_start3A_165 = tpu.memref_slice %arg10[%add3A_84, %dma_start3A_164] : memref<10240x128xf32, #tpu.memory_space<vmem_shared>> -> memref<128x128xf32, #tpu.memory_space<vmem_shared>>
      tpu.enqueue_dma source(%dma_start3A_165 : memref<128x128xf32, #tpu.memory_space<vmem_shared>>) target(%arg8 : memref<128x128xf32, #tpu.memory_space<vmem>>) target_semaphore(%run_scoped3A_161 : memref<!tpu.dma_semaphore, #tpu.memory_space<semaphore_mem>>)
      %dma_wait3A_166 = arith.constant 0 : i32
      %dma_wait3A_167 = tpu.memref_slice %arg10[%add3A_84, %dma_wait3A_166] : memref<10240x128xf32, #tpu.memory_space<vmem_shared>> -> memref<128x128xf32, #tpu.memory_space<vmem_shared>>
      %dma_wait3A_168 = arith.constant 0 : i32
      %dma_wait3A_169 = tpu.memref_slice %arg10[%add3A_84, %dma_wait3A_168] : memref<10240x128xf32, #tpu.memory_space<vmem_shared>> -> memref<128x128xf32, #tpu.memory_space<vmem_shared>>
      tpu.wait_dma2 semaphore(%run_scoped3A_161 : memref<!tpu.dma_semaphore, #tpu.memory_space<semaphore_mem>>) src(%dma_wait3A_169 : memref<128x128xf32, #tpu.memory_space<vmem_shared>>) dst(%arg8 : memref<128x128xf32, #tpu.memory_space<vmem>>)
      tpu.yield
    }) : () -> ()
    %dma_start3A_85 = arith.constant 0 : i32
    %dma_start3A_86 = tpu.memref_slice %arg5[%arg0, %add3A_84, %dma_start3A_85] : memref<2x10240x128xf32, #tpu.memory_space<hbm>> -> memref<1x128x128xf32, #tpu.memory_space<hbm>>
    %dma_start3A_87 = tpu.memref_squeeze %dma_start3A_86 : memref<1x128x128xf32, #tpu.memory_space<hbm>> -> memref<128x128xf32, #tpu.memory_space<hbm>>
    %dma_start3A_88 = arith.constant 0 : i32
    %dma_start3A_89 = tpu.memref_slice %arg5[%arg0, %add3A_84, %dma_start3A_88] : memref<2x10240x128xf32, #tpu.memory_space<hbm>> -> memref<1x128x128xf32, #tpu.memory_space<hbm>>
    %dma_start3A_90 = tpu.memref_squeeze %dma_start3A_89 : memref<1x128x128xf32, #tpu.memory_space<hbm>> -> memref<128x128xf32, #tpu.memory_space<hbm>>
    tpu.enqueue_dma source(%arg8 : memref<128x128xf32, #tpu.memory_space<vmem>>) target(%dma_start3A_90 : memref<128x128xf32, #tpu.memory_space<hbm>>) target_semaphore(%arg11 : memref<!tpu.dma_semaphore, #tpu.memory_space<semaphore_mem>>)
    %mul3A_91 = arith.constant 640 : i32
    %mul3A_92 = arith.muli %arg1, %mul3A_91 : i32
    %add3A_93 = arith.constant 128 : i32
    %add3A_94 = arith.addi %mul3A_92, %add3A_93 : i32
    "tpu.region"() ({
      %run_scoped3A_161 = tpu.sem_alloc : memref<!tpu.dma_semaphore, #tpu.memory_space<semaphore_mem>>
      %dma_start3A_162 = arith.constant 0 : i32
      %dma_start3A_163 = tpu.memref_slice %arg10[%add3A_94, %dma_start3A_162] : memref<10240x128xf32, #tpu.memory_space<vmem_shared>> -> memref<128x128xf32, #tpu.memory_space<vmem_shared>>
      %dma_start3A_164 = arith.constant 0 : i32
      %dma_start3A_165 = tpu.memref_slice %arg10[%add3A_94, %dma_start3A_164] : memref<10240x128xf32, #tpu.memory_space<vmem_shared>> -> memref<128x128xf32, #tpu.memory_space<vmem_shared>>
      tpu.enqueue_dma source(%dma_start3A_165 : memref<128x128xf32, #tpu.memory_space<vmem_shared>>) target(%arg9 : memref<128x128xf32, #tpu.memory_space<vmem>>) target_semaphore(%run_scoped3A_161 : memref<!tpu.dma_semaphore, #tpu.memory_space<semaphore_mem>>)
      %dma_wait3A_166 = arith.constant 0 : i32
      %dma_wait3A_167 = tpu.memref_slice %arg10[%add3A_94, %dma_wait3A_166] : memref<10240x128xf32, #tpu.memory_space<vmem_shared>> -> memref<128x128xf32, #tpu.memory_space<vmem_shared>>
      %dma_wait3A_168 = arith.constant 0 : i32
      %dma_wait3A_169 = tpu.memref_slice %arg10[%add3A_94, %dma_wait3A_168] : memref<10240x128xf32, #tpu.memory_space<vmem_shared>> -> memref<128x128xf32, #tpu.memory_space<vmem_shared>>
      tpu.wait_dma2 semaphore(%run_scoped3A_161 : memref<!tpu.dma_semaphore, #tpu.memory_space<semaphore_mem>>) src(%dma_wait3A_169 : memref<128x128xf32, #tpu.memory_space<vmem_shared>>) dst(%arg9 : memref<128x128xf32, #tpu.memory_space<vmem>>)
      tpu.yield
    }) : () -> ()
    %dma_start3A_95 = arith.constant 0 : i32
    %dma_start3A_96 = tpu.memref_slice %arg5[%arg0, %add3A_94, %dma_start3A_95] : memref<2x10240x128xf32, #tpu.memory_space<hbm>> -> memref<1x128x128xf32, #tpu.memory_space<hbm>>
    %dma_start3A_97 = tpu.memref_squeeze %dma_start3A_96 : memref<1x128x128xf32, #tpu.memory_space<hbm>> -> memref<128x128xf32, #tpu.memory_space<hbm>>
    %dma_start3A_98 = arith.constant 0 : i32
    %dma_start3A_99 = tpu.memref_slice %arg5[%arg0, %add3A_94, %dma_start3A_98] : memref<2x10240x128xf32, #tpu.memory_space<hbm>> -> memref<1x128x128xf32, #tpu.memory_space<hbm>>
    %dma_start3A_100 = tpu.memref_squeeze %dma_start3A_99 : memref<1x128x128xf32, #tpu.memory_space<hbm>> -> memref<128x128xf32, #tpu.memory_space<hbm>>
    tpu.enqueue_dma source(%arg9 : memref<128x128xf32, #tpu.memory_space<vmem>>) target(%dma_start3A_100 : memref<128x128xf32, #tpu.memory_space<hbm>>) target_semaphore(%arg12 : memref<!tpu.dma_semaphore, #tpu.memory_space<semaphore_mem>>)
    %mul3A_101 = arith.constant 640 : i32
    %mul3A_102 = arith.muli %arg1, %mul3A_101 : i32
    %add3A_103 = arith.constant 256 : i32
    %add3A_104 = arith.addi %mul3A_102, %add3A_103 : i32
    %dma_wait3A_105 = arith.constant 0 : i32
    %dma_wait3A_106 = tpu.memref_slice %arg5[%arg0, %add3A_84, %dma_wait3A_105] : memref<2x10240x128xf32, #tpu.memory_space<hbm>> -> memref<1x128x128xf32, #tpu.memory_space<hbm>>
    %dma_wait3A_107 = tpu.memref_squeeze %dma_wait3A_106 : memref<1x128x128xf32, #tpu.memory_space<hbm>> -> memref<128x128xf32, #tpu.memory_space<hbm>>
    %dma_wait3A_108 = arith.constant 0 : i32
    %dma_wait3A_109 = tpu.memref_slice %arg5[%arg0, %add3A_84, %dma_wait3A_108] : memref<2x10240x128xf32, #tpu.memory_space<hbm>> -> memref<1x128x128xf32, #tpu.memory_space<hbm>>
    %dma_wait3A_110 = tpu.memref_squeeze %dma_wait3A_109 : memref<1x128x128xf32, #tpu.memory_space<hbm>> -> memref<128x128xf32, #tpu.memory_space<hbm>>
    tpu.wait_dma2 semaphore(%arg11 : memref<!tpu.dma_semaphore, #tpu.memory_space<semaphore_mem>>) src(%arg8 : memref<128x128xf32, #tpu.memory_space<vmem>>) dst(%dma_wait3A_110 : memref<128x128xf32, #tpu.memory_space<hbm>>)
    "tpu.region"() ({
      %run_scoped3A_161 = tpu.sem_alloc : memref<!tpu.dma_semaphore, #tpu.memory_space<semaphore_mem>>
      %dma_start3A_162 = arith.constant 0 : i32
      %dma_start3A_163 = tpu.memref_slice %arg10[%add3A_104, %dma_start3A_162] : memref<10240x128xf32, #tpu.memory_space<vmem_shared>> -> memref<128x128xf32, #tpu.memory_space<vmem_shared>>
      %dma_start3A_164 = arith.constant 0 : i32
      %dma_start3A_165 = tpu.memref_slice %arg10[%add3A_104, %dma_start3A_164] : memref<10240x128xf32, #tpu.memory_space<vmem_shared>> -> memref<128x128xf32, #tpu.memory_space<vmem_shared>>
      tpu.enqueue_dma source(%dma_start3A_165 : memref<128x128xf32, #tpu.memory_space<vmem_shared>>) target(%arg8 : memref<128x128xf32, #tpu.memory_space<vmem>>) target_semaphore(%run_scoped3A_161 : memref<!tpu.dma_semaphore, #tpu.memory_space<semaphore_mem>>)
      %dma_wait3A_166 = arith.constant 0 : i32
      %dma_wait3A_167 = tpu.memref_slice %arg10[%add3A_104, %dma_wait3A_166] : memref<10240x128xf32, #tpu.memory_space<vmem_shared>> -> memref<128x128xf32, #tpu.memory_space<vmem_shared>>
      %dma_wait3A_168 = arith.constant 0 : i32
      %dma_wait3A_169 = tpu.memref_slice %arg10[%add3A_104, %dma_wait3A_168] : memref<10240x128xf32, #tpu.memory_space<vmem_shared>> -> memref<128x128xf32, #tpu.memory_space<vmem_shared>>
      tpu.wait_dma2 semaphore(%run_scoped3A_161 : memref<!tpu.dma_semaphore, #tpu.memory_space<semaphore_mem>>) src(%dma_wait3A_169 : memref<128x128xf32, #tpu.memory_space<vmem_shared>>) dst(%arg8 : memref<128x128xf32, #tpu.memory_space<vmem>>)
      tpu.yield
    }) : () -> ()
    %dma_start3A_111 = arith.constant 0 : i32
    %dma_start3A_112 = tpu.memref_slice %arg5[%arg0, %add3A_104, %dma_start3A_111] : memref<2x10240x128xf32, #tpu.memory_space<hbm>> -> memref<1x128x128xf32, #tpu.memory_space<hbm>>
    %dma_start3A_113 = tpu.memref_squeeze %dma_start3A_112 : memref<1x128x128xf32, #tpu.memory_space<hbm>> -> memref<128x128xf32, #tpu.memory_space<hbm>>
    %dma_start3A_114 = arith.constant 0 : i32
    %dma_start3A_115 = tpu.memref_slice %arg5[%arg0, %add3A_104, %dma_start3A_114] : memref<2x10240x128xf32, #tpu.memory_space<hbm>> -> memref<1x128x128xf32, #tpu.memory_space<hbm>>
    %dma_start3A_116 = tpu.memref_squeeze %dma_start3A_115 : memref<1x128x128xf32, #tpu.memory_space<hbm>> -> memref<128x128xf32, #tpu.memory_space<hbm>>
    tpu.enqueue_dma source(%arg8 : memref<128x128xf32, #tpu.memory_space<vmem>>) target(%dma_start3A_116 : memref<128x128xf32, #tpu.memory_space<hbm>>) target_semaphore(%arg11 : memref<!tpu.dma_semaphore, #tpu.memory_space<semaphore_mem>>)
    %mul3A_117 = arith.constant 640 : i32
    %mul3A_118 = arith.muli %arg1, %mul3A_117 : i32
    %add3A_119 = arith.constant 384 : i32
    %add3A_120 = arith.addi %mul3A_118, %add3A_119 : i32
    %dma_wait3A_121 = arith.constant 0 : i32
    %dma_wait3A_122 = tpu.memref_slice %arg5[%arg0, %add3A_94, %dma_wait3A_121] : memref<2x10240x128xf32, #tpu.memory_space<hbm>> -> memref<1x128x128xf32, #tpu.memory_space<hbm>>
    %dma_wait3A_123 = tpu.memref_squeeze %dma_wait3A_122 : memref<1x128x128xf32, #tpu.memory_space<hbm>> -> memref<128x128xf32, #tpu.memory_space<hbm>>
    %dma_wait3A_124 = arith.constant 0 : i32
    %dma_wait3A_125 = tpu.memref_slice %arg5[%arg0, %add3A_94, %dma_wait3A_124] : memref<2x10240x128xf32, #tpu.memory_space<hbm>> -> memref<1x128x128xf32, #tpu.memory_space<hbm>>
    %dma_wait3A_126 = tpu.memref_squeeze %dma_wait3A_125 : memref<1x128x128xf32, #tpu.memory_space<hbm>> -> memref<128x128xf32, #tpu.memory_space<hbm>>
    tpu.wait_dma2 semaphore(%arg12 : memref<!tpu.dma_semaphore, #tpu.memory_space<semaphore_mem>>) src(%arg9 : memref<128x128xf32, #tpu.memory_space<vmem>>) dst(%dma_wait3A_126 : memref<128x128xf32, #tpu.memory_space<hbm>>)
    "tpu.region"() ({
      %run_scoped3A_161 = tpu.sem_alloc : memref<!tpu.dma_semaphore, #tpu.memory_space<semaphore_mem>>
      %dma_start3A_162 = arith.constant 0 : i32
      %dma_start3A_163 = tpu.memref_slice %arg10[%add3A_120, %dma_start3A_162] : memref<10240x128xf32, #tpu.memory_space<vmem_shared>> -> memref<128x128xf32, #tpu.memory_space<vmem_shared>>
      %dma_start3A_164 = arith.constant 0 : i32
      %dma_start3A_165 = tpu.memref_slice %arg10[%add3A_120, %dma_start3A_164] : memref<10240x128xf32, #tpu.memory_space<vmem_shared>> -> memref<128x128xf32, #tpu.memory_space<vmem_shared>>
      tpu.enqueue_dma source(%dma_start3A_165 : memref<128x128xf32, #tpu.memory_space<vmem_shared>>) target(%arg9 : memref<128x128xf32, #tpu.memory_space<vmem>>) target_semaphore(%run_scoped3A_161 : memref<!tpu.dma_semaphore, #tpu.memory_space<semaphore_mem>>)
      %dma_wait3A_166 = arith.constant 0 : i32
      %dma_wait3A_167 = tpu.memref_slice %arg10[%add3A_120, %dma_wait3A_166] : memref<10240x128xf32, #tpu.memory_space<vmem_shared>> -> memref<128x128xf32, #tpu.memory_space<vmem_shared>>
      %dma_wait3A_168 = arith.constant 0 : i32
      %dma_wait3A_169 = tpu.memref_slice %arg10[%add3A_120, %dma_wait3A_168] : memref<10240x128xf32, #tpu.memory_space<vmem_shared>> -> memref<128x128xf32, #tpu.memory_space<vmem_shared>>
      tpu.wait_dma2 semaphore(%run_scoped3A_161 : memref<!tpu.dma_semaphore, #tpu.memory_space<semaphore_mem>>) src(%dma_wait3A_169 : memref<128x128xf32, #tpu.memory_space<vmem_shared>>) dst(%arg9 : memref<128x128xf32, #tpu.memory_space<vmem>>)
      tpu.yield
    }) : () -> ()
    %dma_start3A_127 = arith.constant 0 : i32
    %dma_start3A_128 = tpu.memref_slice %arg5[%arg0, %add3A_120, %dma_start3A_127] : memref<2x10240x128xf32, #tpu.memory_space<hbm>> -> memref<1x128x128xf32, #tpu.memory_space<hbm>>
    %dma_start3A_129 = tpu.memref_squeeze %dma_start3A_128 : memref<1x128x128xf32, #tpu.memory_space<hbm>> -> memref<128x128xf32, #tpu.memory_space<hbm>>
    %dma_start3A_130 = arith.constant 0 : i32
    %dma_start3A_131 = tpu.memref_slice %arg5[%arg0, %add3A_120, %dma_start3A_130] : memref<2x10240x128xf32, #tpu.memory_space<hbm>> -> memref<1x128x128xf32, #tpu.memory_space<hbm>>
    %dma_start3A_132 = tpu.memref_squeeze %dma_start3A_131 : memref<1x128x128xf32, #tpu.memory_space<hbm>> -> memref<128x128xf32, #tpu.memory_space<hbm>>
    tpu.enqueue_dma source(%arg9 : memref<128x128xf32, #tpu.memory_space<vmem>>) target(%dma_start3A_132 : memref<128x128xf32, #tpu.memory_space<hbm>>) target_semaphore(%arg12 : memref<!tpu.dma_semaphore, #tpu.memory_space<semaphore_mem>>)
    %mul3A_133 = arith.constant 640 : i32
    %mul3A_134 = arith.muli %arg1, %mul3A_133 : i32
    %add3A_135 = arith.constant 512 : i32
    %add3A_136 = arith.addi %mul3A_134, %add3A_135 : i32
    %dma_wait3A_137 = arith.constant 0 : i32
    %dma_wait3A_138 = tpu.memref_slice %arg5[%arg0, %add3A_104, %dma_wait3A_137] : memref<2x10240x128xf32, #tpu.memory_space<hbm>> -> memref<1x128x128xf32, #tpu.memory_space<hbm>>
    %dma_wait3A_139 = tpu.memref_squeeze %dma_wait3A_138 : memref<1x128x128xf32, #tpu.memory_space<hbm>> -> memref<128x128xf32, #tpu.memory_space<hbm>>
    %dma_wait3A_140 = arith.constant 0 : i32
    %dma_wait3A_141 = tpu.memref_slice %arg5[%arg0, %add3A_104, %dma_wait3A_140] : memref<2x10240x128xf32, #tpu.memory_space<hbm>> -> memref<1x128x128xf32, #tpu.memory_space<hbm>>
    %dma_wait3A_142 = tpu.memref_squeeze %dma_wait3A_141 : memref<1x128x128xf32, #tpu.memory_space<hbm>> -> memref<128x128xf32, #tpu.memory_space<hbm>>
    tpu.wait_dma2 semaphore(%arg11 : memref<!tpu.dma_semaphore, #tpu.memory_space<semaphore_mem>>) src(%arg8 : memref<128x128xf32, #tpu.memory_space<vmem>>) dst(%dma_wait3A_142 : memref<128x128xf32, #tpu.memory_space<hbm>>)
    "tpu.region"() ({
      %run_scoped3A_161 = tpu.sem_alloc : memref<!tpu.dma_semaphore, #tpu.memory_space<semaphore_mem>>
      %dma_start3A_162 = arith.constant 0 : i32
      %dma_start3A_163 = tpu.memref_slice %arg10[%add3A_136, %dma_start3A_162] : memref<10240x128xf32, #tpu.memory_space<vmem_shared>> -> memref<128x128xf32, #tpu.memory_space<vmem_shared>>
      %dma_start3A_164 = arith.constant 0 : i32
      %dma_start3A_165 = tpu.memref_slice %arg10[%add3A_136, %dma_start3A_164] : memref<10240x128xf32, #tpu.memory_space<vmem_shared>> -> memref<128x128xf32, #tpu.memory_space<vmem_shared>>
      tpu.enqueue_dma source(%dma_start3A_165 : memref<128x128xf32, #tpu.memory_space<vmem_shared>>) target(%arg8 : memref<128x128xf32, #tpu.memory_space<vmem>>) target_semaphore(%run_scoped3A_161 : memref<!tpu.dma_semaphore, #tpu.memory_space<semaphore_mem>>)
      %dma_wait3A_166 = arith.constant 0 : i32
      %dma_wait3A_167 = tpu.memref_slice %arg10[%add3A_136, %dma_wait3A_166] : memref<10240x128xf32, #tpu.memory_space<vmem_shared>> -> memref<128x128xf32, #tpu.memory_space<vmem_shared>>
      %dma_wait3A_168 = arith.constant 0 : i32
      %dma_wait3A_169 = tpu.memref_slice %arg10[%add3A_136, %dma_wait3A_168] : memref<10240x128xf32, #tpu.memory_space<vmem_shared>> -> memref<128x128xf32, #tpu.memory_space<vmem_shared>>
      tpu.wait_dma2 semaphore(%run_scoped3A_161 : memref<!tpu.dma_semaphore, #tpu.memory_space<semaphore_mem>>) src(%dma_wait3A_169 : memref<128x128xf32, #tpu.memory_space<vmem_shared>>) dst(%arg8 : memref<128x128xf32, #tpu.memory_space<vmem>>)
      tpu.yield
    }) : () -> ()
    %dma_start3A_143 = arith.constant 0 : i32
    %dma_start3A_144 = tpu.memref_slice %arg5[%arg0, %add3A_136, %dma_start3A_143] : memref<2x10240x128xf32, #tpu.memory_space<hbm>> -> memref<1x128x128xf32, #tpu.memory_space<hbm>>
    %dma_start3A_145 = tpu.memref_squeeze %dma_start3A_144 : memref<1x128x128xf32, #tpu.memory_space<hbm>> -> memref<128x128xf32, #tpu.memory_space<hbm>>
    %dma_start3A_146 = arith.constant 0 : i32
    %dma_start3A_147 = tpu.memref_slice %arg5[%arg0, %add3A_136, %dma_start3A_146] : memref<2x10240x128xf32, #tpu.memory_space<hbm>> -> memref<1x128x128xf32, #tpu.memory_space<hbm>>
    %dma_start3A_148 = tpu.memref_squeeze %dma_start3A_147 : memref<1x128x128xf32, #tpu.memory_space<hbm>> -> memref<128x128xf32, #tpu.memory_space<hbm>>
    tpu.enqueue_dma source(%arg8 : memref<128x128xf32, #tpu.memory_space<vmem>>) target(%dma_start3A_148 : memref<128x128xf32, #tpu.memory_space<hbm>>) target_semaphore(%arg11 : memref<!tpu.dma_semaphore, #tpu.memory_space<semaphore_mem>>)
    %dma_wait3A_149 = arith.constant 0 : i32
    %dma_wait3A_150 = tpu.memref_slice %arg5[%arg0, %add3A_120, %dma_wait3A_149] : memref<2x10240x128xf32, #tpu.memory_space<hbm>> -> memref<1x128x128xf32, #tpu.memory_space<hbm>>
    %dma_wait3A_151 = tpu.memref_squeeze %dma_wait3A_150 : memref<1x128x128xf32, #tpu.memory_space<hbm>> -> memref<128x128xf32, #tpu.memory_space<hbm>>
    %dma_wait3A_152 = arith.constant 0 : i32
    %dma_wait3A_153 = tpu.memref_slice %arg5[%arg0, %add3A_120, %dma_wait3A_152] : memref<2x10240x128xf32, #tpu.memory_space<hbm>> -> memref<1x128x128xf32, #tpu.memory_space<hbm>>
    %dma_wait3A_154 = tpu.memref_squeeze %dma_wait3A_153 : memref<1x128x128xf32, #tpu.memory_space<hbm>> -> memref<128x128xf32, #tpu.memory_space<hbm>>
    tpu.wait_dma2 semaphore(%arg12 : memref<!tpu.dma_semaphore, #tpu.memory_space<semaphore_mem>>) src(%arg9 : memref<128x128xf32, #tpu.memory_space<vmem>>) dst(%dma_wait3A_154 : memref<128x128xf32, #tpu.memory_space<hbm>>)
    %dma_wait3A_155 = arith.constant 0 : i32
    %dma_wait3A_156 = tpu.memref_slice %arg5[%arg0, %add3A_136, %dma_wait3A_155] : memref<2x10240x128xf32, #tpu.memory_space<hbm>> -> memref<1x128x128xf32, #tpu.memory_space<hbm>>
    %dma_wait3A_157 = tpu.memref_squeeze %dma_wait3A_156 : memref<1x128x128xf32, #tpu.memory_space<hbm>> -> memref<128x128xf32, #tpu.memory_space<hbm>>
    %dma_wait3A_158 = arith.constant 0 : i32
    %dma_wait3A_159 = tpu.memref_slice %arg5[%arg0, %add3A_136, %dma_wait3A_158] : memref<2x10240x128xf32, #tpu.memory_space<hbm>> -> memref<1x128x128xf32, #tpu.memory_space<hbm>>
    %dma_wait3A_160 = tpu.memref_squeeze %dma_wait3A_159 : memref<1x128x128xf32, #tpu.memory_space<hbm>> -> memref<128x128xf32, #tpu.memory_space<hbm>>
    tpu.wait_dma2 semaphore(%arg11 : memref<!tpu.dma_semaphore, #tpu.memory_space<semaphore_mem>>) src(%arg8 : memref<128x128xf32, #tpu.memory_space<vmem>>) dst(%dma_wait3A_160 : memref<128x128xf32, #tpu.memory_space<hbm>>)
    return
  }
}

module attributes {stable_mosaic.version = 14 : i64} {
  func.func @_mm_body(%arg0: i32, %arg1: memref<5120x256xf32, #tpu.memory_space<vmem>>, %arg2: memref<256x128xf32, #tpu.memory_space<vmem>>, %arg3: memref<5120x128xf32, #tpu.memory_space<vmem>>) attributes {dimension_semantics = [#tpu.dimension_semantics<arbitrary>], iteration_bounds = array<i64: 2>, scalar_prefetch = 0 : i64, scratch_operands = 0 : i64, tpu.core_type = #tpu.core_type<tc>, window_params = [{transform_indices = @transform_0, window_bounds = array<i64: 5120, 256>}, {pipeline_mode = #tpu.pipeline_mode<synchronous>, transform_indices = @transform_1, window_bounds = array<i64: 256, 128>}, {transform_indices = @transform_2, window_bounds = array<i64: 5120, 128>}]} {
    %get3A = arith.constant 0 : index
    %get3A_0 = arith.constant 0 : index
    %get3A_1 = vector.load %arg1[%get3A, %get3A_0] : memref<5120x256xf32, #tpu.memory_space<vmem>>, vector<5120x256xf32>
    %get3A_2 = arith.constant 0 : index
    %get3A_3 = arith.constant 0 : index
    %get3A_4 = vector.load %arg2[%get3A_2, %get3A_3] : memref<256x128xf32, #tpu.memory_space<vmem>>, vector<256x128xf32>
    %dot_general3A = arith.constant dense<0.000000e+00> : vector<5120x128xf32>
    %dot_general3A_5 = tpu.matmul %get3A_1, %get3A_4, %dot_general3A {dimension_numbers = #tpu.dot_dimension_numbers<[1], [0], [0], [1], [0, 0, 1, 1], [], []>, transpose_lhs_hint = false} : vector<5120x256xf32>, vector<256x128xf32>, vector<5120x128xf32> -> vector<5120x128xf32>
    %swap3A = arith.constant 0 : index
    %swap3A_6 = arith.constant 0 : index
    %swap3A_7 = vector.load %arg3[%swap3A, %swap3A_6] : memref<5120x128xf32, #tpu.memory_space<vmem>>, vector<5120x128xf32>
    tpu.vector_store %arg3[%swap3A, %swap3A_6], %dot_general3A_5 {strides = array<i32>} : memref<5120x128xf32, #tpu.memory_space<vmem>>, vector<5120x128xf32>,
    return
  }
  func.func @transform_0(%arg0: i32) -> (i32, i32) {
    %c0_i32 = arith.constant 0 : i32
    %c0_i32_0 = arith.constant 0 : i32
    return %arg0, %c0_i32 : i32, i32
  }
  func.func @transform_1(%arg0: i32) -> (i32, i32) {
    %c0_i32 = arith.constant 0 : i32
    %c0_i32_0 = arith.constant 0 : i32
    %c0_i32_1 = arith.constant 0 : i32
    return %c0_i32, %c0_i32_0 : i32, i32
  }
  func.func @transform_2(%arg0: i32) -> (i32, i32) {
    %c0_i32 = arith.constant 0 : i32
    %c0_i32_0 = arith.constant 0 : i32
    return %arg0, %c0_i32 : i32, i32
  }
}

module attributes {stable_mosaic.version = 14 : i64} {
  func.func @_scale_body(%arg0: i32, %arg1: memref<5120x128xf32, #tpu.memory_space<vmem>>, %arg2: memref<2x5120xf32, #tpu.memory_space<vmem>>, %arg3: memref<5120x128xf32, #tpu.memory_space<vmem>>) attributes {dimension_semantics = [#tpu.dimension_semantics<arbitrary>], iteration_bounds = array<i64: 2>, scalar_prefetch = 0 : i64, scratch_operands = 0 : i64, tpu.core_type = #tpu.core_type<tc>, window_params = [{transform_indices = @transform_0, window_bounds = array<i64: 5120, 128>}, {transform_indices = @transform_1, window_bounds = array<i64: 2, 5120>}, {transform_indices = @transform_2, window_bounds = array<i64: 5120, 128>}]} {
    %get3A = arith.constant 0 : index
    %get3A_0 = arith.constant 0 : index
    %get3A_1 = vector.load %arg2[%get3A, %get3A_0] : memref<2x5120xf32, #tpu.memory_space<vmem>>, vector<1x5120xf32>
    %get3A_2 = vector.shape_cast %get3A_1 : vector<1x5120xf32> to vector<5120xf32>
    %get3A_3 = arith.constant 1 : index
    %get3A_4 = arith.constant 0 : index
    %get3A_5 = vector.load %arg2[%get3A_3, %get3A_4] : memref<2x5120xf32, #tpu.memory_space<vmem>>, vector<1x5120xf32>
    %get3A_6 = vector.shape_cast %get3A_5 : vector<1x5120xf32> to vector<5120xf32>
    %add3A = arith.addf %get3A_2, %get3A_6 : vector<5120xf32>
    %add3A_7 = arith.constant 1.000000e+00 : f32
    %add3A_8 = vector.broadcast %add3A_7 : f32 to vector<5120xf32>
    %add3A_9 = arith.addf %add3A, %add3A_8 : vector<5120xf32>
    %rsqrt3A = math.rsqrt %add3A_9 : vector<5120xf32>
    %get3A_10 = arith.constant 0 : index
    %get3A_11 = arith.constant 0 : index
    %get3A_12 = vector.load %arg1[%get3A_10, %get3A_11] : memref<5120x128xf32, #tpu.memory_space<vmem>>, vector<5120x128xf32>
    %broadcast_in_dim3A = vector.shape_cast %rsqrt3A : vector<5120xf32> to vector<5120x1xf32>
    %mul3A = vector.broadcast %broadcast_in_dim3A : vector<5120x1xf32> to vector<5120x128xf32>
    %mul3A_13 = arith.mulf %get3A_12, %mul3A : vector<5120x128xf32>
    %swap3A = arith.constant 0 : index
    %swap3A_14 = arith.constant 0 : index
    %swap3A_15 = vector.load %arg3[%swap3A, %swap3A_14] : memref<5120x128xf32, #tpu.memory_space<vmem>>, vector<5120x128xf32>
    tpu.vector_store %arg3[%swap3A, %swap3A_14], %mul3A_13 {strides = array<i32>} : memref<5120x128xf32, #tpu.memory_space<vmem>>, vector<5120x128xf32>,
    return
  }
  func.func @transform_0(%arg0: i32) -> (i32, i32) {
    %c0_i32 = arith.constant 0 : i32
    %c0_i32_0 = arith.constant 0 : i32
    return %arg0, %c0_i32 : i32, i32
  }
  func.func @transform_1(%arg0: i32) -> (i32, i32) {
    %c0_i32 = arith.constant 0 : i32
    %c0_i32_0 = arith.constant 0 : i32
    return %c0_i32, %arg0 : i32, i32
  }
  func.func @transform_2(%arg0: i32) -> (i32, i32) {
    %c0_i32 = arith.constant 0 : i32
    %c0_i32_0 = arith.constant 0 : i32
    return %arg0, %c0_i32 : i32, i32
  }
}

module attributes {stable_mosaic.version = 14 : i64} {
  func.func @_fin_body(%arg0: i32, %arg1: memref<2x5120x128xf32, #tpu.memory_space<vmem>>, %arg2: memref<5120x128xf32, #tpu.memory_space<vmem>>, %arg3: memref<2x5120xf32, #tpu.memory_space<vmem>>, %arg4: memref<1x128xf32, #tpu.memory_space<vmem>>, %arg5: memref<5120x128xf32, #tpu.memory_space<vmem>>) attributes {dimension_semantics = [#tpu.dimension_semantics<arbitrary>], iteration_bounds = array<i64: 2>, scalar_prefetch = 0 : i64, scratch_operands = 0 : i64, tpu.core_type = #tpu.core_type<tc>, window_params = [{transform_indices = @transform_0, window_bounds = array<i64: 2, 5120, 128>}, {transform_indices = @transform_1, window_bounds = array<i64: 5120, 128>}, {transform_indices = @transform_2, window_bounds = array<i64: 2, 5120>}, {pipeline_mode = #tpu.pipeline_mode<synchronous>, transform_indices = @transform_3, window_bounds = array<i64: 1, 128>}, {transform_indices = @transform_4, window_bounds = array<i64: 5120, 128>}]} {
    %get3A = arith.constant 0 : index
    %get3A_0 = arith.constant 0 : index
    %get3A_1 = vector.load %arg3[%get3A, %get3A_0] : memref<2x5120xf32, #tpu.memory_space<vmem>>, vector<1x5120xf32>
    %get3A_2 = vector.shape_cast %get3A_1 : vector<1x5120xf32> to vector<5120xf32>
    %get3A_3 = arith.constant 1 : index
    %get3A_4 = arith.constant 0 : index
    %get3A_5 = vector.load %arg3[%get3A_3, %get3A_4] : memref<2x5120xf32, #tpu.memory_space<vmem>>, vector<1x5120xf32>
    %get3A_6 = vector.shape_cast %get3A_5 : vector<1x5120xf32> to vector<5120xf32>
    %add3A = arith.addf %get3A_2, %get3A_6 : vector<5120xf32>
    %add3A_7 = arith.constant 1.000000e+00 : f32
    %add3A_8 = vector.broadcast %add3A_7 : f32 to vector<5120xf32>
    %add3A_9 = arith.addf %add3A, %add3A_8 : vector<5120xf32>
    %rsqrt3A = math.rsqrt %add3A_9 : vector<5120xf32>
    %broadcast_in_dim3A = vector.shape_cast %rsqrt3A : vector<5120xf32> to vector<5120x1xf32>
    %get3A_10 = arith.constant 0 : index
    %get3A_11 = arith.constant 0 : index
    %get3A_12 = arith.constant 0 : index
    %get3A_13 = vector.load %arg1[%get3A_10, %get3A_11, %get3A_12] : memref<2x5120x128xf32, #tpu.memory_space<vmem>>, vector<1x5120x128xf32>
    %get3A_14 = vector.shape_cast %get3A_13 : vector<1x5120x128xf32> to vector<5120x128xf32>
    %get3A_15 = arith.constant 1 : index
    %get3A_16 = arith.constant 0 : index
    %get3A_17 = arith.constant 0 : index
    %get3A_18 = vector.load %arg1[%get3A_15, %get3A_16, %get3A_17] : memref<2x5120x128xf32, #tpu.memory_space<vmem>>, vector<1x5120x128xf32>
    %get3A_19 = vector.shape_cast %get3A_18 : vector<1x5120x128xf32> to vector<5120x128xf32>
    %add3A_20 = arith.addf %get3A_14, %get3A_19 : vector<5120x128xf32>
    %get3A_21 = arith.constant 0 : index
    %get3A_22 = arith.constant 0 : index
    %get3A_23 = vector.load %arg2[%get3A_21, %get3A_22] : memref<5120x128xf32, #tpu.memory_space<vmem>>, vector<5120x128xf32>
    %add3A_24 = arith.addf %add3A_20, %get3A_23 : vector<5120x128xf32>
    %mul3A = vector.broadcast %broadcast_in_dim3A : vector<5120x1xf32> to vector<5120x128xf32>
    %mul3A_25 = arith.mulf %mul3A, %add3A_24 : vector<5120x128xf32>
    %get3A_26 = arith.constant 0 : index
    %get3A_27 = arith.constant 0 : index
    %get3A_28 = vector.load %arg4[%get3A_26, %get3A_27] : memref<1x128xf32, #tpu.memory_space<vmem>>, vector<1x128xf32>
    %add3A_29 = vector.broadcast %get3A_28 : vector<1x128xf32> to vector<5120x128xf32>
    %add3A_30 = arith.addf %mul3A_25, %add3A_29 : vector<5120x128xf32>
    %swap3A = arith.constant 0 : index
    %swap3A_31 = arith.constant 0 : index
    %swap3A_32 = vector.load %arg5[%swap3A, %swap3A_31] : memref<5120x128xf32, #tpu.memory_space<vmem>>, vector<5120x128xf32>
    tpu.vector_store %arg5[%swap3A, %swap3A_31], %add3A_30 {strides = array<i32>} : memref<5120x128xf32, #tpu.memory_space<vmem>>, vector<5120x128xf32>,
    return
  }
  func.func @transform_0(%arg0: i32) -> (i32, i32, i32) {
    %c0_i32 = arith.constant 0 : i32
    %c0_i32_0 = arith.constant 0 : i32
    %c0_i32_1 = arith.constant 0 : i32
    return %c0_i32, %arg0, %c0_i32_0 : i32, i32, i32
  }
  func.func @transform_1(%arg0: i32) -> (i32, i32) {
    %c0_i32 = arith.constant 0 : i32
    %c0_i32_0 = arith.constant 0 : i32
    return %arg0, %c0_i32 : i32, i32
  }
  func.func @transform_2(%arg0: i32) -> (i32, i32) {
    %c0_i32 = arith.constant 0 : i32
    %c0_i32_0 = arith.constant 0 : i32
    return %c0_i32, %arg0 : i32, i32
  }
  func.func @transform_3(%arg0: i32) -> (i32, i32) {
    %c0_i32 = arith.constant 0 : i32
    %c0_i32_0 = arith.constant 0 : i32
    %c0_i32_1 = arith.constant 0 : i32
    return %c0_i32, %c0_i32_0 : i32, i32
  }
  func.func @transform_4(%arg0: i32) -> (i32, i32) {
    %c0_i32 = arith.constant 0 : i32
    %c0_i32_0 = arith.constant 0 : i32
    return %arg0, %c0_i32 : i32, i32
  }
}

</mosaic_0001>

<sc_bundles>
// kernel: kernel.10.cloned.1.call-start
scs
__scs_entry_jumppad:
0x0: {  	(pc) =	sbr.rel $0x88, $3  }
0x1: {  	(tag) =	ssettag $0x0;
	lr =	simm.s32 $0x1  }
0x2: {  	[smem:$0x3F9D] =	sst lr;
	_ =	strace $0xD0000000  }
0x3: {  	_ = 	snop  }
0x4: {  	_ = 	snop  }
0x5: {  	_ = 	snop  }
0x6: {  	_ = 	snop  }
0x7: {  	_ = 	snop  }
__scs_overlays_trampoline_lowered:
0x8: {  	[smem:$0x3FAC] =	sst s0  }
0x9: {  	[smem:$0x3FAD] =	sst s1  }
0xa: {  	[smem:$0x3FAE] =	sst s2  }
0xb: {  	[smem:$0x3FAF] =	sst s3  }
0xc: {  	[smem:$0x3FB0] =	sst s4  }
0xd: {  	[smem:$0x3FB1] =	sst s5  }
0xe: {  	[smem:$0x3FB2] =	sst s6  }
0xf: {  	[smem:$0x3FB3] =	sst s7  }
0x10: {  	[smem:$0x3FB4] =	sst s8  }
0x11: {  	[smem:$0x3FB5] =	sst s9;
	s0 =	simm.s32 @!p0 $0x0  }
0x12: {  	s1 =	sld [smem:$0x3F9B];
	s0 =	simm.s32 @p0 $0x1  }
0x13: {  	[smem:$0x3FB6] =	sst s0;
	s0 =	simm.s32 @!p1 $0x0  }
0x14: {  	s2 =	sld [smem:$0x3F9A];
	s0 =	simm.s32 @p1 $0x1  }
0x15: {  	[smem:$0x3FB7] =	sst s0;
	s0 =	simm.s32 @!p2 $0x0  }
0x16: {  	s3 =	sld [smem:$0x3FDB];
	s0 =	simm.s32 @p2 $0x1  }
0x17: {  	s4 =	simm.s32 $0x1BF5;
	[smem:$0x3FB9] =	sst s0  }
0x18: {  	s0 =	sld [smem:$0x3F9C];
	_ =	swait.ge [sflag:s4], $0x0  }
0x19: {  	s7 =	sld [smem:$0x3F9D]  }
0x1a: {  	s8 =	sadd.s32 $0xFFFFE003, lr  }
0x1b: {  	s9 =	sadd.s32 $0xFFFFFEF7, lr;
	s5 =	simm.s32 $0xFFFFFFFF;
	p2 =	slt.u32 s8, $0xFFFFF086  }
0x1c: {  	p1 =	slt.u32 s9, $0xF7A;
	s5 =	simm.s32 @!p2 $0x0  }
0x1d: {  	s5 =	simm.s32 @p1 $0x1;
	p0 =	seq.s32 s7, s2  }
0x1e: {  	s7 =	smul.u32 @!p0 $0xF7A, s2;
	p2 =	seq.s32 @!p0 s5, $0x0  }
0x1f: {  	s9 =	smul.u32 $0xF7A, s1;
	s8 =	simm.s32 @!p0 $0x1BF5;
	p2 =	por !p2, p0  }
0x20: {  	[sflag:s8] =	ssyncset.s32 @!p0 $0xFFFFF086;
	s6 =	sadd.s32 @!p0 s3, s7;
	s7 =	simm.s32 @!p0 $0x108  }
0x21: {  	s3 =	sadd.s32 s3, s9;
	s6 =	sadd.s32 @!p0 $0x88, s6;
	s7 =	simm.s32 @p2 $0x1082  }
0x22: {  	[simem:s7], [sflag:s8] =	dma.local @!p0 [hbm:s6], $0xF7A  }
0x23: {  	s9 =	sor.u32 $0xD0000000, s2;
	s6 =	simm.s32 $0x108;
	_ =	swait.ge @!p0 [sflag:s8], $0x0  }
0x24: {  	s3 =	sadd.s32 $0x88, s3;
	s6 =	simm.s32 @!p1 $0x1082;
	[sflag:s4] =	ssyncset.s32 $0xFFFFF086  }
0x25: {  	[simem:s6], [sflag:s4] =	dma.local [hbm:s3], $0xF7A  }
0x26: {  	[smem:$0x3F9D] =	sst s1;
	(tag) =	ssettag s2;
	_ =	strace s9  }
0x27: {  	s1 =	sld [smem:$0x3FAD]  }
0x28: {  	s2 =	sld [smem:$0x3FAE]  }
0x29: {  	s4 =	sld [smem:$0x3FB0]  }
0x2a: {  	p0 =	seq.s32 s5, $0x0;
	s5 =	sld [smem:$0x3FB1]  }
0x2b: {  	s6 =	sld [smem:$0x3FB2]  }
0x2c: {  	s7 =	sld [smem:$0x3FB3]  }
0x2d: {  	s3 =	simm.s32 $0x108;
	s8 =	sld [smem:$0x3FB4]  }
0x2e: {  	s3 =	simm.s32 @!p0 $0x1082;
	s9 =	sld [smem:$0x3FB5]  }
0x2f: {  	lr =	sadd.s32 s0, s3;
	s0 =	sld [smem:$0x3FAC]  }
0x30: {  	s3 =	sld [smem:$0x3FAF]  }
0x31: {  	[smem:$0x3FB8] =	sst s10  }
0x32: {  	s10 =	sld [smem:$0x3FB6];
	_ =	sdelay $0x3  }
0x33: {  	p0 =	seq.s32 s10, $0x1;
	s10 =	sld [smem:$0x3FB8];
	_ =	sdelay $0x3  }
0x34: {  	[smem:$0x3FB8] =	sst s10  }
0x35: {  	s10 =	sld [smem:$0x3FB7];
	_ =	sdelay $0x3  }
0x36: {  	p1 =	seq.s32 s10, $0x1;
	s10 =	sld [smem:$0x3FB8];
	_ =	sdelay $0x3  }
0x37: {  	[smem:$0x3FB8] =	sst s10  }
0x38: {  	s10 =	sld [smem:$0x3FB9]  }
0x39: {  	_ = 	snop;
	(pc) =	sbr.ind lr, $3  }
0x3a: {  	_ = 	snop  }
0x3b: {  	_ = 	snop  }
0x3c: {  	p2 =	seq.s32 s10, $0x1;
	s10 =	sld [smem:$0x3FB8]  }
0x3d: {  	_ =	shalt  }
0x3e: {  	_ =	shalt  }
0x3f: {  	_ =	shalt  }
0x40: {  	_ =	shalt  }
0x41: {  	_ =	shalt  }
0x42: {  	_ =	shalt  }
0x43: {  	_ =	shalt  }
0x44: {  	_ =	shalt  }
0x45: {  	_ =	shalt  }
0x46: {  	_ =	shalt  }
0x47: {  	_ =	shalt  }
0x48: {  	_ =	shalt  }
0x49: {  	_ =	shalt  }
0x4a: {  	_ =	shalt  }
0x4b: {  	_ =	shalt  }
0x4c: {  	_ =	shalt  }
0x4d: {  	_ =	shalt  }
0x4e: {  	_ =	shalt  }
0x4f: {  	_ =	shalt  }
0x50: {  	_ =	shalt  }
0x51: {  	_ =	shalt  }
0x52: {  	_ =	shalt  }
0x53: {  	_ =	shalt  }
0x54: {  	_ =	shalt  }
0x55: {  	_ =	shalt  }
0x56: {  	_ =	shalt  }
0x57: {  	_ =	shalt  }
0x58: {  	_ =	shalt  }
0x59: {  	_ =	shalt  }
0x5a: {  	_ =	shalt  }
0x5b: {  	_ =	shalt  }
0x5c: {  	_ =	shalt  }
0x5d: {  	_ =	shalt  }
0x5e: {  	_ =	shalt  }
0x5f: {  	_ =	shalt  }
0x60: {  	_ =	shalt  }
0x61: {  	_ =	shalt  }
0x62: {  	_ =	shalt  }
0x63: {  	_ =	shalt  }
0x64: {  	_ =	shalt  }
0x65: {  	_ =	shalt  }
0x66: {  	_ =	shalt  }
0x67: {  	_ =	shalt  }
0x68: {  	_ =	shalt  }
0x69: {  	_ =	shalt  }
0x6a: {  	_ =	shalt  }
0x6b: {  	_ =	shalt  }
0x6c: {  	_ =	shalt  }
0x6d: {  	_ =	shalt  }
0x6e: {  	_ =	shalt  }
0x6f: {  	_ =	shalt  }
0x70: {  	_ =	shalt  }
0x71: {  	_ =	shalt  }
0x72: {  	_ =	shalt  }
0x73: {  	_ =	shalt  }
0x74: {  	_ =	shalt  }
0x75: {  	_ =	shalt  }
0x76: {  	_ =	shalt  }
0x77: {  	_ =	shalt  }
0x78: {  	_ =	shalt  }
0x79: {  	_ =	shalt  }
0x7a: {  	_ =	shalt  }
0x7b: {  	_ =	shalt  }
0x7c: {  	_ =	shalt  }
0x7d: {  	_ =	shalt  }
0x7e: {  	_ =	shalt  }
0x7f: {  	_ =	shalt  }
0x80: {  	_ =	shalt  }
0x81: {  	_ =	shalt  }
0x82: {  	_ =	shalt  }
0x83: {  	_ =	shalt  }
0x84: {  	_ =	shalt  }
0x85: {  	_ =	shalt  }
0x86: {  	_ =	shalt  }
0x87: {  	_ =	shalt  }
.Lfunc_end0:
.L_simem_size_0:
called_computation.1_lowered:
.L_overlay_start_0:
0x88: {  	s2 =	sld [smem:$0x3FD9]  }
0x89: {  	s3 =	sld [smem:$0x3FFE];
	_ =	sdelay $0x1  }
0x8a: {  	s1 =	srdreg.scid  }
0x8b: {  	s0 =	sand.u32 $0x1, s1  }
0x8c: {  	s17 =	sshll.u32 s0, $0xA;
	s2 =	sadd.s32 s3, s2  }
0x8d: {  	s2 =	sadd.s32 s2, s17  }
0x8e: {  	[smem:$0x3FC4] =	sst s2  }
0x8f: {  	_ = 	snop  }
0x90: {  	s2 =	sld [smem:$0x3FD0];
	(tm) =	ssettm $0x1  }
0x91: {  	s18 =	sld [smem:$0x3FFB];
	_ =	sdelay $0x3  }
0x92: {  	_ =	strace s18  }
0x93: {  	s3 =	sld [smem:$0x3FFC];
	_ =	sdelay $0x3  }
0x94: {  	_ =	strace s3  }
0x95: {  	s3 =	sld [smem:$0x3FFD];
	_ =	sdelay $0x3  }
0x96: {  	_ =	strace s3  }
0x97: {  	_ =	strace $0x8FFFFFFF  }
0x98: {  	s19 =	sld [smem:$0x3FDB];
	_ =	sdelay $0x1  }
0x99: {  	s4 =	simm.s32 $_scs_section_size  }
0x9a: {  	s5 =	simm.s32 $_size__tile_overlayer_lowered;
	s6 =	simm.s32 $_tile_overlayer_lowered  }
0x9b: {  	s22 =	simm.s32 $0x1BFF;
	s21 =	sshll.u32 s6, $0x1;
	s3 =	sadd.s32 s4, s19  }
0x9c: {  	s7 =	simm.s32 $0x0;
	s20 =	sshll.u32 s5, $0x1;
	s5 =	sadd.s32 s21, s3  }
0x9d: {  	[timem:s7], [sflag:s22] =	dma.local [hbm:s5], s20  }
0x9e: {  	_ =	swait.ge [sflag:s22], s20  }
0x9f: {  	s4 =	ssub.s32 $0x0, s20;
	[sflag:s22] =	ssyncset.done $0x0  }
0xa0: {  	[sflag:s22] =	ssyncadd.s32 s4;
	_ =	sdelay $0x1  }
0xa1: {  	s23 =	simm.s32 $0x1B8B  }
0xa2: {  	_ =	swait.ge [sflag:s23], $0x1  }
0xa3: {  	[sflag:s23] =	ssyncset.done $0x0  }
0xa4: {  	s25 =	simm.s32 $0x1B8E;
	s24 =	sld [smem:$0x3FFE];
	[sflag:s23] =	ssyncadd.s32 $0xFFFFFFFF  }
0xa5: {  	s26 =	simm.s32 $execute0_lowered;
	[smem:$0x3FD2] =	sst s25  }
0xa6: {  	s5 =	sshll.u32 s26, $0x1;
	_ =	strace $0x80000049;
	[dreg:$0x1] =	wrdreg $0xFFFFFFFF  }
0xa7: {  	s28 =	simm.s32 $_size_execute0_lowered;
	s3 =	sadd.s32 s3, s5;
	[dreg:$0x0] =	wrdreg $0x0  }
0xa8: {  	s5 =	sshll.u32 s28, $0x1;
	[dreg:$0x2] =	wrdreg s3  }
0xa9: {  	[dreg:$0x3] =	wrdreg s5  }
0xaa: {  	[dreg:$0x4] =	wrdreg $0xC0  }
0xab: {  	_ =	task [dreg:s7], $0x5FFFF  }
0xac: {  	[dreg:$0x1] =	wrdreg $0xFFFFFFFF  }
0xad: {  	[dreg:$0x0] =	wrdreg $0x60  }
0xae: {  	[dreg:$0x2] =	wrdreg s24  }
0xaf: {  	[dreg:$0x3] =	wrdreg s2  }
0xb0: {  	[dreg:$0x4] =	wrdreg $0xA8000  }
0xb1: {  	[dreg:$0x5] =	wrdreg $0x9  }
0xb2: {  	_ =	task.clear_ibuf [dreg:s7], $0x6FFFF;
	_ =	strace $0x90000049  }
0xb3: {  	s29 =	simm.s32 $0x9;
	_ =	strace $0x8000004B  }
0xb4: {  	_ =	swait.ge [sflag:s29], $0x1  }
0xb5: {  	[sflag:s29] =	ssyncadd.s32 $0xFFFFFFFF  }
0xb6: {  	_ =	strace $0x9000004B  }
0xb7: {  	_ =	sfence  }
0xb8: {  	s30 =	sld [smem:$0x0];
	_ =	sdelay $0x2  }
0xb9: {  	s31 =	sshll.u32 s1, $0xD;
	s1 =	sshrl.u32 s1, $0x2  }
0xba: {  	s3 =	sand.u32 $0x4000, s31;
	s1 =	sadd.s32 s1, s30  }
0xbb: {  	s0 =	sor.u32 s3, s0;
	s1 =	sshll.u32 s1, $0x11  }
0xbc: {  	s0 =	sor.u32 s1, s0  }
0xbd: {  	s0 =	sadd.s32 $0x8F2B, s0  }
0xbe: {  	[sflag:s0] =	ssyncadd.remote.s32 $0x1  }
0xbf: {  	_ =	sfence.sel $0xFFFF  }
0xc0: {  	[dreg:$0x0] =	wrdreg $0xFFFFFFFF;
	(pc) =	sbr.abs _section_cstart, $3  }
0xc1: {  	[dreg:$0x1] =	wrdreg $0xFFFFFFFF  }
0xc2: {  	_ =	task.clear_ibuf [dreg:s7], $0x2FFFF;
	_ =	strace $0x9FFFFFFF  }
0xc3: {  	(tm) =	ssettm $0x7FFFFFFF  }
tec
execute0_lowered:
.L_overlay_start_1:
0x0: {  	(tag) =	ssettag $0x1  }
0x1: {  	s5 =	rddreg [dreg:$0x0]  }
0x2: {  	s6 =	rddreg [dreg:$0x1]  }
0x3: {  	s1 =	rddreg [dreg:$0x2];
	s2 =	srdreg.scid;
	s3 =	simm.s32 $0x0  }
0x4: {  	s0 =	stileid.u32;
	s20 =	simm.s32 $0x3;
	s21 =	simm.s32 $0x1  }
0x5: {  	s22 =	simm.s32 $0x2;
	s23 =	simm.s32 $0x80;
	s28 =	simm.s32 $0x2780  }
0x6: {  	s29 =	simm.s32 $0x0;
	s8 =	sand.u32 $0x1, s2;
	s10 =	smul.u32 $0x50000, s0  }
0x7: {  	[smem:$0x7FF] =	sst s3;
	s16 =	sadd.s32 $0x2EE00, s5;
	s12 =	smul.u32 $0x14000, s0  }
0x8: {  	s4 =	sshll.u32 s8, $0x4;
	_ =	strace $0x8000004A;
	s9 =	ssub.s32 $0x2, s8  }
0x9: {  	s15 =	smul.u32 $0x140000, s8;
	s4 =	sor.u32 s0, s4;
	s24 =	sshrl.u32 s9, $0x1  }
0xa: {  	s25 =	sshrl.u32 s10, $0x2;
	s26 =	sadd.s32 $0x4000, s12;
	s14 =	sadd.s32 $0x8000, s12  }
0xb: {  	s18 =	sadd.s32 $0xC000, s12;
	s19 =	sadd.s32 $0x10000, s12;
	s7 =	smul.u32 $0x280, s4  }
0xc: {  	s4 =	sadd.s32 $0x6E00, s5;
	s17 =	ssub.s32 s9, s24;
	s8 =	sadd.s32 s26, s1  }
0xd: {  	s9 =	sadd.s32 s14, s1;
	s10 =	sadd.s32 s18, s1;
	s13 =	sadd.s32 s12, s15  }
0xe: {  	s14 =	sadd.s32 s15, s14;
	s18 =	sadd.s32 s15, s18;
	s24 =	simm.s32 $0x6800  }
0xf: {  	s30 =	sshrl.u32 s13, $0x3;
	s14 =	sshrl.u32 s14, $0x3;
	s18 =	sshrl.u32 s18, $0x3  }
0x10: {  	s17 =	smax.u32 s17, $0x1;
	s11 =	sadd.s32 s7, s5;
	s5 =	sadd.s32 s6, s7  }
0x11: {  	s7 =	sadd.s32 s25, s1;
	s12 =	sadd.s32 s16, s30;
	s14 =	sadd.s32 s16, s14  }
0x12: {  	s25 =	simm.s32 $0x1380;
	s6 =	sadd.s32 $0x1E00, s11;
	s11 =	sadd.s32 s15, s26  }
0x13: {  	s15 =	sadd.s32 s15, s19;
	s26 =	simm.s32 $0x2700;
	s31 =	sshrl.u32 s11, $0x3  }
0x14: {  	s11 =	sadd.s32 s19, s1;
	s19 =	sshrl.u32 s15, $0x3;
	s15 =	sadd.s32 s16, s18  }
0x15: {  	v0 =	vimm.f32 $0.0e+00;
	s13 =	sadd.s32 s16, s31;
	s16 =	sadd.s32 s16, s19;
	s19 =	simm.s32 $0x2800  }
.LBB2_1:
0x16: {  	[tilespmem:s3], [sflag:$0x1] =	stream.linear.gather [hbm4b:s5+s3], $0x1400, $0x38;
	[tilespmem:$0x1E800] =	vst v63  }
0x17: {  	s0 =	simm.s32 $0x1400;
	s30 =	simm.s32 $0x0;
	s31 =	simm.s32 $0x200  }
0x18: {  	[tilespmem:s0], [sflag:$0x2] =	stream.linear.gather [hbm4b:s6+s3], $0x1400, $0x38;
	[tilespmem:$0x1E800] =	vst v63  }
.LBB2_2:
0x19: {  	p0 =	sne.s32 s31, $0xFE00;
	[tilespmem:s30+$0x2870] =	vst v0  }
0x1a: {  	[tilespmem:s30+$0x2800] =	vst v0  }
0x1b: {  	[tilespmem:s30+$0x2810] =	vst v0  }
.Ltmp0:
0x1c: {  	[tilespmem:s30+$0x2820] =	vst v0;
	(pc) =	sbr.rel @p0 .LBB2_2-.Ltmp0, $4  }
0x1d: {  	[tilespmem:s30+$0x2830] =	vst v0  }
0x1e: {  	[tilespmem:s30+$0x2840] =	vst v0  }
0x1f: {  	[tilespmem:s30+$0x2850] =	vst v0  }
0x20: {  	[tilespmem:s30+$0x2860] =	vst v0;
	s30 =	sshra.s32 s31, $0x2;
	s31 =	sadd.s32 $0x200, s31  }
0x21: {  	[tilespmem:s30+$0x2870] =	vst v0  }
0x22: {  	[tilespmem:s30+$0x2800] =	vst v0  }
0x23: {  	[tilespmem:s30+$0x2810] =	vst v0  }
0x24: {  	[tilespmem:s30+$0x2820] =	vst v0  }
0x25: {  	[tilespmem:s30+$0x2830] =	vst v0  }
0x26: {  	[tilespmem:s30+$0x2840] =	vst v0  }
0x27: {  	[tilespmem:s30+$0x2850] =	vst v0  }
0x28: {  	[tilespmem:s30+$0x2860] =	vst v0  }
0x29: {  	[spmem:s7] =	stream.linear.scatter [tilespmem:s19], [sflag:$0x3], $0x4000, $0x38;
	[tilespmem:$0x1E800] =	vst v63  }
0x2a: {  	_ =	swait.ge [sflag:s20], $0x4000  }
0x2b: {  	[sflag:s20] =	ssyncset.done $0x0  }
0x2c: {  	[sflag:s20] =	ssyncadd.s32 $0xFFFFC000  }
0x2d: {  	[spmem:s8] =	stream.linear.scatter [tilespmem:s19], [sflag:$0x3], $0x4000, $0x38;
	[tilespmem:$0x1E800] =	vst v63  }
0x2e: {  	_ =	swait.ge [sflag:s20], $0x4000  }
0x2f: {  	[sflag:s20] =	ssyncset.done $0x0  }
0x30: {  	[sflag:s20] =	ssyncadd.s32 $0xFFFFC000  }
0x31: {  	[spmem:s9] =	stream.linear.scatter [tilespmem:s19], [sflag:$0x3], $0x4000, $0x38;
	[tilespmem:$0x1E800] =	vst v63  }
0x32: {  	_ =	swait.ge [sflag:s20], $0x4000  }
0x33: {  	[sflag:s20] =	ssyncset.done $0x0  }
0x34: {  	[sflag:s20] =	ssyncadd.s32 $0xFFFFC000  }
0x35: {  	[spmem:s10] =	stream.linear.scatter [tilespmem:s19], [sflag:$0x3], $0x4000, $0x38;
	[tilespmem:$0x1E800] =	vst v63  }
0x36: {  	_ =	swait.ge [sflag:s20], $0x4000  }
0x37: {  	[sflag:s20] =	ssyncset.done $0x0  }
0x38: {  	[sflag:s20] =	ssyncadd.s32 $0xFFFFC000  }
0x39: {  	[spmem:s11] =	stream.linear.scatter [tilespmem:s19], [sflag:$0x3], $0x4000, $0x38;
	[tilespmem:$0x1E800] =	vst v63  }
0x3a: {  	_ =	swait.ge [sflag:s20], $0x4000  }
0x3b: {  	[sflag:s20] =	ssyncset.done $0x0  }
0x3c: {  	[sflag:s20] =	ssyncadd.s32 $0xFFFFC000  }
0x3d: {  	_ =	swait.ge [sflag:s21], $0x1400  }
0x3e: {  	[sflag:s21] =	ssyncset.done $0x0  }
0x3f: {  	[sflag:s21] =	ssyncadd.s32 $0xFFFFEC00  }
0x40: {  	_ =	swait.ge [sflag:s22], $0x1400  }
0x41: {  	[sflag:s22] =	ssyncset.done $0x0  }
0x42: {  	[sflag:s22] =	ssyncadd.s32 $0xFFFFEC00  }
0x43: {  	s30 =	simm.s32 $0x0;
	[bflag:$0x0] =	sbarrier.arrive $0xFFFF  }
0x44: {  	[tilespmem:s19], [sflag:$0x1] =	stream.indirect.gather [hbm4b:s4+s23], $0x80, s30, s23, $0xb8;
	[tilespmem:$0x1E800] =	vst v63  }
0x45: {  	s30 =	simm.s32 $0x80  }
0x46: {  	[tilespmem:s24], [sflag:$0x2] =	stream.indirect.gather [hbm4b:s4+s23], $0x80, s30, s23, $0xb8;
	[tilespmem:$0x1E800] =	vst v63  }
0x47: {  	_ =	swait.ge [sflag:s21], $0x4000  }
0x48: {  	[sflag:s21] =	ssyncset.done $0x0  }
0x49: {  	s30 =	simm.s32 $0x1400;
	[sflag:s21] =	ssyncadd.s32 $0xFFFFC000  }
0x4a: {  	[spmem:s1] =	stream.indirect.scatter.add.f32 [tilespmem:s19], [sflag:$0x3], $0x80, s30, s23, $0xb8;
	[tilespmem:$0x1E800] =	vst v63  }
0x4b: {  	_ =	swait.ge [sflag:s20], $0x4000  }
0x4c: {  	[sflag:s20] =	ssyncset.done $0x0  }
0x4d: {  	s30 =	simm.s32 $0x100;
	[sflag:s20] =	ssyncadd.s32 $0xFFFFC000  }
0x4e: {  	[tilespmem:s19], [sflag:$0x1] =	stream.indirect.gather [hbm4b:s4+s23], $0x80, s30, s23, $0xb8;
	[tilespmem:$0x1E800] =	vst v63  }
0x4f: {  	_ =	swait.ge [sflag:s22], $0x4000  }
0x50: {  	[sflag:s22] =	ssyncset.done $0x0  }
0x51: {  	s30 =	simm.s32 $0x1480;
	[sflag:s22] =	ssyncadd.s32 $0xFFFFC000  }
0x52: {  	[spmem:s1] =	stream.indirect.scatter.add.f32 [tilespmem:s24], [sflag:$0x3], $0x80, s30, s23, $0xb8;
	[tilespmem:$0x1E800] =	vst v63  }
0x53: {  	_ =	swait.ge [sflag:s20], $0x4000  }
0x54: {  	s31 =	simm.s32 $0x800;
	s30 =	simm.s32 $0x100;
	[sflag:s20] =	ssyncset.done $0x0  }
.LBB2_4:
0x55: {  	s0 =	sadd.s32 $0x80, s30  }
0x56: {  	[sflag:s20] =	ssyncadd.s32 $0xFFFFC000;
	s2 =	smov.u32 s31;
	s18 =	sadd.s32 $0x400, s31  }
0x57: {  	[tilespmem:s24], [sflag:$0x2] =	stream.indirect.gather [hbm4b:s4+s23], $0x80, s0, s23, $0xb8;
	[tilespmem:$0x1E800] =	vst v63  }
0x58: {  	p0 =	sne.s32 s31, $0x4800;
	_ =	swait.ge [sflag:s21], $0x4000  }
0x59: {  	[sflag:s21] =	ssyncset.done $0x0  }
0x5a: {  	s0 =	sadd.s32 $0x1400, s30;
	[sflag:s21] =	ssyncadd.s32 $0xFFFFC000  }
0x5b: {  	[spmem:s1] =	stream.indirect.scatter.add.f32 [tilespmem:s19], [sflag:$0x3], $0x80, s0, s23, $0xb8;
	[tilespmem:$0x1E800] =	vst v63  }
0x5c: {  	_ =	swait.ge [sflag:s20], $0x4000  }
0x5d: {  	[sflag:s20] =	ssyncset.done $0x0  }
0x5e: {  	s0 =	sadd.s32 $0x100, s30;
	[sflag:s20] =	ssyncadd.s32 $0xFFFFC000  }
0x5f: {  	[tilespmem:s19], [sflag:$0x1] =	stream.indirect.gather [hbm4b:s4+s23], $0x80, s0, s23, $0xb8;
	[tilespmem:$0x1E800] =	vst v63  }
0x60: {  	_ =	swait.ge [sflag:s22], $0x4000  }
.Ltmp1:
0x61: {  	[sflag:s22] =	ssyncset.done $0x0;
	(pc) =	sbr.rel @p0 .LBB2_4-.Ltmp1, $4  }
0x62: {  	s0 =	sadd.s32 $0x1480, s30;
	[sflag:s22] =	ssyncadd.s32 $0xFFFFC000  }
0x63: {  	[spmem:s1] =	stream.indirect.scatter.add.f32 [tilespmem:s24], [sflag:$0x3], $0x80, s0, s23, $0xb8;
	[tilespmem:$0x1E800] =	vst v63  }
0x64: {  	_ =	swait.ge [sflag:s20], $0x4000  }
0x65: {  	s31 =	smov.u32 s18;
	s30 =	sshra.s32 s2, $0x2;
	[sflag:s20] =	ssyncset.done $0x0  }
0x66: {  	s0 =	sadd.s32 $0x80, s30;
	[sflag:s20] =	ssyncadd.s32 $0xFFFFC000  }
0x67: {  	[tilespmem:s24], [sflag:$0x2] =	stream.indirect.gather [hbm4b:s4+s23], $0x80, s0, s23, $0xb8;
	[tilespmem:$0x1E800] =	vst v63  }
0x68: {  	_ =	swait.ge [sflag:s21], $0x4000  }
0x69: {  	[sflag:s21] =	ssyncset.done $0x0  }
0x6a: {  	s2 =	sadd.s32 $0x1400, s30;
	[sflag:s21] =	ssyncadd.s32 $0xFFFFC000  }
0x6b: {  	[spmem:s1] =	stream.indirect.scatter.add.f32 [tilespmem:s19], [sflag:$0x3], $0x80, s2, s23, $0xb8;
	[tilespmem:$0x1E800] =	vst v63  }
0x6c: {  	_ =	swait.ge [sflag:s20], $0x4000  }
0x6d: {  	[sflag:s20] =	ssyncset.done $0x0  }
0x6e: {  	s18 =	sadd.s32 $0x100, s30;
	[sflag:s20] =	ssyncadd.s32 $0xFFFFC000  }
0x6f: {  	[tilespmem:s19], [sflag:$0x1] =	stream.indirect.gather [hbm4b:s4+s23], $0x80, s18, s23, $0xb8;
	[tilespmem:$0x1E800] =	vst v63  }
0x70: {  	_ =	swait.ge [sflag:s22], $0x4000  }
0x71: {  	[sflag:s22] =	ssyncset.done $0x0  }
0x72: {  	s31 =	sadd.s32 $0x1480, s30;
	[sflag:s22] =	ssyncadd.s32 $0xFFFFC000  }
0x73: {  	[spmem:s1] =	stream.indirect.scatter.add.f32 [tilespmem:s24], [sflag:$0x3], $0x80, s31, s23, $0xb8;
	[tilespmem:$0x1E800] =	vst v63  }
0x74: {  	_ =	swait.ge [sflag:s20], $0x4000  }
0x75: {  	[sflag:s20] =	ssyncset.done $0x0  }
0x76: {  	[sflag:s20] =	ssyncadd.s32 $0xFFFFC000  }
0x77: {  	[tilespmem:s24], [sflag:$0x2] =	stream.indirect.gather [hbm4b:s4+s23], $0x80, s25, s23, $0xb8;
	[tilespmem:$0x1E800] =	vst v63  }
0x78: {  	_ =	swait.ge [sflag:s21], $0x4000  }
0x79: {  	[sflag:s21] =	ssyncset.done $0x0  }
0x7a: {  	[sflag:s21] =	ssyncadd.s32 $0xFFFFC000  }
0x7b: {  	[spmem:s1] =	stream.indirect.scatter.add.f32 [tilespmem:s19], [sflag:$0x3], $0x80, s26, s23, $0xb8;
	[tilespmem:$0x1E800] =	vst v63  }
0x7c: {  	_ =	swait.ge [sflag:s20], $0x4000  }
0x7d: {  	[sflag:s20] =	ssyncset.done $0x0  }
0x7e: {  	[sflag:s20] =	ssyncadd.s32 $0xFFFFC000  }
0x7f: {  	_ =	swait.ge [sflag:s22], $0x4000  }
0x80: {  	[sflag:s22] =	ssyncset.done $0x0  }
0x81: {  	[sflag:s22] =	ssyncadd.s32 $0xFFFFC000  }
0x82: {  	[spmem:s1] =	stream.indirect.scatter.add.f32 [tilespmem:s24], [sflag:$0x3], $0x80, s28, s23, $0xb8;
	[tilespmem:$0x1E800] =	vst v63  }
0x83: {  	_ =	swait.ge [sflag:s20], $0x4000  }
0x84: {  	[sflag:s20] =	ssyncset.done $0x0  }
0x85: {  	[sflag:s20] =	ssyncadd.s32 $0xFFFFC000  }
0x86: {  	[bflag:$0x0] =	sbarrier.arrive $0xFFFF  }
0x87: {  	[tilespmem:s19], [sflag:$0x3] =	stream.linear.gather [spmem:s7], $0x4000, $0x38;
	[tilespmem:$0x1E800] =	vst v63  }
0x88: {  	_ =	swait.ge [sflag:s20], $0x4000  }
0x89: {  	[sflag:s20] =	ssyncset.done $0x0  }
0x8a: {  	[sflag:s20] =	ssyncadd.s32 $0xFFFFC000  }
0x8b: {  	[hbm4b:s12+s3] =	stream.linear.scatter [tilespmem:s19], [sflag:$0x1], $0x4000, $0x38;
	[tilespmem:$0x1E800] =	vst v63  }
0x8c: {  	_ = 	snop  }
0x8d: {  	[tilespmem:s24], [sflag:$0x3] =	stream.linear.gather [spmem:s8], $0x4000, $0x38;
	[tilespmem:$0x1E800] =	vst v63  }
0x8e: {  	_ =	swait.ge [sflag:s20], $0x4000  }
0x8f: {  	[sflag:s20] =	ssyncset.done $0x0  }
0x90: {  	[sflag:s20] =	ssyncadd.s32 $0xFFFFC000  }
0x91: {  	[hbm4b:s13+s3] =	stream.linear.scatter [tilespmem:s24], [sflag:$0x2], $0x4000, $0x38;
	[tilespmem:$0x1E800] =	vst v63  }
0x92: {  	_ =	swait.ge [sflag:s21], $0x4000  }
0x93: {  	[sflag:s21] =	ssyncset.done $0x0  }
0x94: {  	[sflag:s21] =	ssyncadd.s32 $0xFFFFC000  }
0x95: {  	[tilespmem:s19], [sflag:$0x3] =	stream.linear.gather [spmem:s9], $0x4000, $0x38;
	[tilespmem:$0x1E800] =	vst v63  }
0x96: {  	_ =	swait.ge [sflag:s20], $0x4000  }
0x97: {  	[sflag:s20] =	ssyncset.done $0x0  }
0x98: {  	[sflag:s20] =	ssyncadd.s32 $0xFFFFC000  }
0x99: {  	[hbm4b:s14+s3] =	stream.linear.scatter [tilespmem:s19], [sflag:$0x1], $0x4000, $0x38;
	[tilespmem:$0x1E800] =	vst v63  }
0x9a: {  	_ =	swait.ge [sflag:s22], $0x4000  }
0x9b: {  	[sflag:s22] =	ssyncset.done $0x0  }
0x9c: {  	[sflag:s22] =	ssyncadd.s32 $0xFFFFC000  }
0x9d: {  	[tilespmem:s24], [sflag:$0x3] =	stream.linear.gather [spmem:s10], $0x4000, $0x38;
	[tilespmem:$0x1E800] =	vst v63  }
0x9e: {  	_ =	swait.ge [sflag:s20], $0x4000  }
0x9f: {  	[sflag:s20] =	ssyncset.done $0x0  }
0xa0: {  	[sflag:s20] =	ssyncadd.s32 $0xFFFFC000  }
0xa1: {  	[hbm4b:s15+s3] =	stream.linear.scatter [tilespmem:s24], [sflag:$0x2], $0x4000, $0x38;
	[tilespmem:$0x1E800] =	vst v63  }
0xa2: {  	_ =	swait.ge [sflag:s21], $0x4000  }
0xa3: {  	[sflag:s21] =	ssyncset.done $0x0  }
0xa4: {  	[sflag:s21] =	ssyncadd.s32 $0xFFFFC000  }
0xa5: {  	[tilespmem:s19], [sflag:$0x3] =	stream.linear.gather [spmem:s11], $0x4000, $0x38;
	[tilespmem:$0x1E800] =	vst v63  }
0xa6: {  	_ =	swait.ge [sflag:s20], $0x4000  }
0xa7: {  	[sflag:s20] =	ssyncset.done $0x0  }
0xa8: {  	s29 =	sadd.s32 $0x1, s29;
	[sflag:s20] =	ssyncadd.s32 $0xFFFFC000  }
0xa9: {  	[hbm4b:s16+s3] =	stream.linear.scatter [tilespmem:s19], [sflag:$0x1], $0x4000, $0x38;
	[tilespmem:$0x1E800] =	vst v63  }
0xaa: {  	p0 =	sne.s32 s29, s17;
	_ =	swait.ge [sflag:s22], $0x4000  }
.Ltmp2:
0xab: {  	[sflag:s22] =	ssyncset.done $0x0;
	(pc) =	sbr.rel @p0 .LBB2_1-.Ltmp2, $4  }
0xac: {  	[sflag:s22] =	ssyncadd.s32 $0xFFFFC000  }
0xad: {  	_ =	swait.ge [sflag:s21], $0x4000  }
0xae: {  	[sflag:s21] =	ssyncset.done $0x0  }
0xaf: {  	[sflag:s21] =	ssyncadd.s32 $0xFFFFC000  }
0xb0: {  	_ =	sfence.sel $0x180000  }
0xb1: {  	[bflag:$0x0] =	sbarrier.arrive $0xFFFF  }
0xb2: {  	_ =	strace $0x9000004A  }
0xb3: {  	s0 =	stileid.u32;
	[bflag:$0x2] =	sbarrier.arrive $0xFFFF  }
0xb4: {  	p0 =	sne.s32 s0, $0x0;
	s0 =	rddreg [dreg:$0x3]  }
0xb5: {  	s0 =	sadd.s32 @!p0 $0x100000, s0  }
0xb6: {  	[sflag:s0] =	ssyncadd.tile.s32 @!p0 $0x1;
	_ =	shalt  }
.Lfunc_end2:
_tile_overlayer_lowered:
.L_overlay_start_2:
0xb7: {  	(tag) =	ssettag $0x2  }
0xb8: {  	s0 =	rddreg [dreg:$0x0];
	s2 =	stileid.u32  }
0xb9: {  	s1 =	rddreg [dreg:$0x1];
	p0 =	sne.s32 s2, $0x0  }
0xba: {  	s3 =	rddreg [dreg:$0x2];
	[bflag:$0x3] =	sbarrier.arrive $0xFFFF;
	s2 =	simm.s32 @!p0 $0x1C03  }
0xbb: {  	[timem:s3], [sflag:s2] =	dma.local @!p0 [hbm:s0], s1  }
0xbc: {  	s0 =	simm.s32 @!p0 $0x3  }
0xbd: {  	_ =	swait.ge @!p0 [sflag:s0], s1  }
0xbe: {  	s1 =	ssub.s32 @!p0 $0x0, s1;
	[sflag:s0] =	ssyncset.done @!p0 $0x0  }
0xbf: {  	[sflag:s0] =	ssyncadd.s32 @!p0 s1  }
0xc0: {  	[bflag:$0x3] =	sbarrier.arrive $0xFFFF  }
0xc1: {  	_ =	shalt  }

// kernel: kernel.7.cloned.1.call-start
scs
__scs_entry_jumppad:
0x0: {  	(pc) =	sbr.rel $0x88, $3  }
0x1: {  	(tag) =	ssettag $0x0;
	lr =	simm.s32 $0x1  }
0x2: {  	[smem:$0x3F9D] =	sst lr;
	_ =	strace $0xD0000000  }
0x3: {  	_ = 	snop  }
0x4: {  	_ = 	snop  }
0x5: {  	_ = 	snop  }
0x6: {  	_ = 	snop  }
0x7: {  	_ = 	snop  }
__scs_overlays_trampoline_lowered:
0x8: {  	[smem:$0x3FAC] =	sst s0  }
0x9: {  	[smem:$0x3FAD] =	sst s1  }
0xa: {  	[smem:$0x3FAE] =	sst s2  }
0xb: {  	[smem:$0x3FAF] =	sst s3  }
0xc: {  	[smem:$0x3FB0] =	sst s4  }
0xd: {  	[smem:$0x3FB1] =	sst s5  }
0xe: {  	[smem:$0x3FB2] =	sst s6  }
0xf: {  	[smem:$0x3FB3] =	sst s7  }
0x10: {  	[smem:$0x3FB4] =	sst s8  }
0x11: {  	[smem:$0x3FB5] =	sst s9;
	s0 =	simm.s32 @!p0 $0x0  }
0x12: {  	s1 =	sld [smem:$0x3F9B];
	s0 =	simm.s32 @p0 $0x1  }
0x13: {  	[smem:$0x3FB6] =	sst s0;
	s0 =	simm.s32 @!p1 $0x0  }
0x14: {  	s2 =	sld [smem:$0x3F9A];
	s0 =	simm.s32 @p1 $0x1  }
0x15: {  	[smem:$0x3FB7] =	sst s0;
	s0 =	simm.s32 @!p2 $0x0  }
0x16: {  	s3 =	sld [smem:$0x3FDB];
	s0 =	simm.s32 @p2 $0x1  }
0x17: {  	s4 =	simm.s32 $0x1BF5;
	[smem:$0x3FB9] =	sst s0  }
0x18: {  	s0 =	sld [smem:$0x3F9C];
	_ =	swait.ge [sflag:s4], $0x0  }
0x19: {  	s7 =	sld [smem:$0x3F9D]  }
0x1a: {  	s8 =	sadd.s32 $0xFFFFE003, lr  }
0x1b: {  	s9 =	sadd.s32 $0xFFFFFEF7, lr;
	s5 =	simm.s32 $0xFFFFFFFF;
	p2 =	slt.u32 s8, $0xFFFFF086  }
0x1c: {  	p1 =	slt.u32 s9, $0xF7A;
	s5 =	simm.s32 @!p2 $0x0  }
0x1d: {  	s5 =	simm.s32 @p1 $0x1;
	p0 =	seq.s32 s7, s2  }
0x1e: {  	s7 =	smul.u32 @!p0 $0xF7A, s2;
	p2 =	seq.s32 @!p0 s5, $0x0  }
0x1f: {  	s9 =	smul.u32 $0xF7A, s1;
	s8 =	simm.s32 @!p0 $0x1BF5;
	p2 =	por !p2, p0  }
0x20: {  	[sflag:s8] =	ssyncset.s32 @!p0 $0xFFFFF086;
	s6 =	sadd.s32 @!p0 s3, s7;
	s7 =	simm.s32 @!p0 $0x108  }
0x21: {  	s3 =	sadd.s32 s3, s9;
	s6 =	sadd.s32 @!p0 $0x88, s6;
	s7 =	simm.s32 @p2 $0x1082  }
0x22: {  	[simem:s7], [sflag:s8] =	dma.local @!p0 [hbm:s6], $0xF7A  }
0x23: {  	s9 =	sor.u32 $0xD0000000, s2;
	s6 =	simm.s32 $0x108;
	_ =	swait.ge @!p0 [sflag:s8], $0x0  }
0x24: {  	s3 =	sadd.s32 $0x88, s3;
	s6 =	simm.s32 @!p1 $0x1082;
	[sflag:s4] =	ssyncset.s32 $0xFFFFF086  }
0x25: {  	[simem:s6], [sflag:s4] =	dma.local [hbm:s3], $0xF7A  }
0x26: {  	[smem:$0x3F9D] =	sst s1;
	(tag) =	ssettag s2;
	_ =	strace s9  }
0x27: {  	s1 =	sld [smem:$0x3FAD]  }
0x28: {  	s2 =	sld [smem:$0x3FAE]  }
0x29: {  	s4 =	sld [smem:$0x3FB0]  }
0x2a: {  	p0 =	seq.s32 s5, $0x0;
	s5 =	sld [smem:$0x3FB1]  }
0x2b: {  	s6 =	sld [smem:$0x3FB2]  }
0x2c: {  	s7 =	sld [smem:$0x3FB3]  }
0x2d: {  	s3 =	simm.s32 $0x108;
	s8 =	sld [smem:$0x3FB4]  }
0x2e: {  	s3 =	simm.s32 @!p0 $0x1082;
	s9 =	sld [smem:$0x3FB5]  }
0x2f: {  	lr =	sadd.s32 s0, s3;
	s0 =	sld [smem:$0x3FAC]  }
0x30: {  	s3 =	sld [smem:$0x3FAF]  }
0x31: {  	[smem:$0x3FB8] =	sst s10  }
0x32: {  	s10 =	sld [smem:$0x3FB6];
	_ =	sdelay $0x3  }
0x33: {  	p0 =	seq.s32 s10, $0x1;
	s10 =	sld [smem:$0x3FB8];
	_ =	sdelay $0x3  }
0x34: {  	[smem:$0x3FB8] =	sst s10  }
0x35: {  	s10 =	sld [smem:$0x3FB7];
	_ =	sdelay $0x3  }
0x36: {  	p1 =	seq.s32 s10, $0x1;
	s10 =	sld [smem:$0x3FB8];
	_ =	sdelay $0x3  }
0x37: {  	[smem:$0x3FB8] =	sst s10  }
0x38: {  	s10 =	sld [smem:$0x3FB9]  }
0x39: {  	_ = 	snop;
	(pc) =	sbr.ind lr, $3  }
0x3a: {  	_ = 	snop  }
0x3b: {  	_ = 	snop  }
0x3c: {  	p2 =	seq.s32 s10, $0x1;
	s10 =	sld [smem:$0x3FB8]  }
0x3d: {  	_ =	shalt  }
0x3e: {  	_ =	shalt  }
0x3f: {  	_ =	shalt  }
0x40: {  	_ =	shalt  }
0x41: {  	_ =	shalt  }
0x42: {  	_ =	shalt  }
0x43: {  	_ =	shalt  }
0x44: {  	_ =	shalt  }
0x45: {  	_ =	shalt  }
0x46: {  	_ =	shalt  }
0x47: {  	_ =	shalt  }
0x48: {  	_ =	shalt  }
0x49: {  	_ =	shalt  }
0x4a: {  	_ =	shalt  }
0x4b: {  	_ =	shalt  }
0x4c: {  	_ =	shalt  }
0x4d: {  	_ =	shalt  }
0x4e: {  	_ =	shalt  }
0x4f: {  	_ =	shalt  }
0x50: {  	_ =	shalt  }
0x51: {  	_ =	shalt  }
0x52: {  	_ =	shalt  }
0x53: {  	_ =	shalt  }
0x54: {  	_ =	shalt  }
0x55: {  	_ =	shalt  }
0x56: {  	_ =	shalt  }
0x57: {  	_ =	shalt  }
0x58: {  	_ =	shalt  }
0x59: {  	_ =	shalt  }
0x5a: {  	_ =	shalt  }
0x5b: {  	_ =	shalt  }
0x5c: {  	_ =	shalt  }
0x5d: {  	_ =	shalt  }
0x5e: {  	_ =	shalt  }
0x5f: {  	_ =	shalt  }
0x60: {  	_ =	shalt  }
0x61: {  	_ =	shalt  }
0x62: {  	_ =	shalt  }
0x63: {  	_ =	shalt  }
0x64: {  	_ =	shalt  }
0x65: {  	_ =	shalt  }
0x66: {  	_ =	shalt  }
0x67: {  	_ =	shalt  }
0x68: {  	_ =	shalt  }
0x69: {  	_ =	shalt  }
0x6a: {  	_ =	shalt  }
0x6b: {  	_ =	shalt  }
0x6c: {  	_ =	shalt  }
0x6d: {  	_ =	shalt  }
0x6e: {  	_ =	shalt  }
0x6f: {  	_ =	shalt  }
0x70: {  	_ =	shalt  }
0x71: {  	_ =	shalt  }
0x72: {  	_ =	shalt  }
0x73: {  	_ =	shalt  }
0x74: {  	_ =	shalt  }
0x75: {  	_ =	shalt  }
0x76: {  	_ =	shalt  }
0x77: {  	_ =	shalt  }
0x78: {  	_ =	shalt  }
0x79: {  	_ =	shalt  }
0x7a: {  	_ =	shalt  }
0x7b: {  	_ =	shalt  }
0x7c: {  	_ =	shalt  }
0x7d: {  	_ =	shalt  }
0x7e: {  	_ =	shalt  }
0x7f: {  	_ =	shalt  }
0x80: {  	_ =	shalt  }
0x81: {  	_ =	shalt  }
0x82: {  	_ =	shalt  }
0x83: {  	_ =	shalt  }
0x84: {  	_ =	shalt  }
0x85: {  	_ =	shalt  }
0x86: {  	_ =	shalt  }
0x87: {  	_ =	shalt  }
.Lfunc_end0:
.L_simem_size_0:
called_computation_lowered:
.L_overlay_start_0:
0x88: {  	s2 =	sld [smem:$0x3FD9]  }
0x89: {  	s3 =	sld [smem:$0x3FFE];
	_ =	sdelay $0x1  }
0x8a: {  	s1 =	srdreg.scid  }
0x8b: {  	s0 =	sand.u32 $0x1, s1  }
0x8c: {  	s16 =	sshll.u32 s0, $0xA;
	s2 =	sadd.s32 s3, s2  }
0x8d: {  	s2 =	sadd.s32 s2, s16  }
0x8e: {  	[smem:$0x3FC4] =	sst s2  }
0x8f: {  	_ = 	snop  }
0x90: {  	(tm) =	ssettm $0x1  }
0x91: {  	s17 =	sld [smem:$0x3FFB];
	_ =	sdelay $0x3  }
0x92: {  	_ =	strace s17  }
0x93: {  	s2 =	sld [smem:$0x3FFC];
	_ =	sdelay $0x3  }
0x94: {  	_ =	strace s2  }
0x95: {  	s2 =	sld [smem:$0x3FFD];
	_ =	sdelay $0x3  }
0x96: {  	_ =	strace s2  }
0x97: {  	_ =	strace $0x8FFFFFFF  }
0x98: {  	s18 =	sld [smem:$0x3FDB];
	_ =	sdelay $0x1  }
0x99: {  	s19 =	simm.s32 $_scs_section_size  }
0x9a: {  	s4 =	simm.s32 $_size__tile_overlayer_lowered;
	s5 =	simm.s32 $_tile_overlayer_lowered  }
0x9b: {  	s22 =	simm.s32 $0x1BFF;
	s21 =	sshll.u32 s5, $0x1;
	s2 =	sadd.s32 s19, s18  }
0x9c: {  	s6 =	simm.s32 $0x0;
	s20 =	sshll.u32 s4, $0x1;
	s4 =	sadd.s32 s21, s2  }
0x9d: {  	[timem:s6], [sflag:s22] =	dma.local [hbm:s4], s20  }
0x9e: {  	_ =	swait.ge [sflag:s22], s20  }
0x9f: {  	s3 =	ssub.s32 $0x0, s20;
	[sflag:s22] =	ssyncset.done $0x0  }
0xa0: {  	[sflag:s22] =	ssyncadd.s32 s3;
	_ =	sdelay $0x1  }
0xa1: {  	s23 =	simm.s32 $0x1B8B  }
0xa2: {  	_ =	swait.ge [sflag:s23], $0x1  }
0xa3: {  	[sflag:s23] =	ssyncset.done $0x0  }
0xa4: {  	s25 =	simm.s32 $0x1B8E;
	s24 =	sld [smem:$0x3FFE];
	[sflag:s23] =	ssyncadd.s32 $0xFFFFFFFF  }
0xa5: {  	s26 =	simm.s32 $execute0_lowered;
	[smem:$0x3FD2] =	sst s25  }
0xa6: {  	s4 =	sshll.u32 s26, $0x1;
	_ =	strace $0x80000046;
	[dreg:$0x1] =	wrdreg $0xFFFFFFFF  }
0xa7: {  	s28 =	simm.s32 $_size_execute0_lowered;
	s2 =	sadd.s32 s2, s4;
	[dreg:$0x0] =	wrdreg $0x0  }
0xa8: {  	s4 =	sshll.u32 s28, $0x1;
	[dreg:$0x2] =	wrdreg s2  }
0xa9: {  	[dreg:$0x3] =	wrdreg s4  }
0xaa: {  	[dreg:$0x4] =	wrdreg $0xC0  }
0xab: {  	_ =	task [dreg:s6], $0x5FFFF  }
0xac: {  	[dreg:$0x1] =	wrdreg $0xFFFFFFFF  }
0xad: {  	[dreg:$0x0] =	wrdreg $0x60  }
0xae: {  	[dreg:$0x2] =	wrdreg s24  }
0xaf: {  	[dreg:$0x3] =	wrdreg $0x17000  }
0xb0: {  	[dreg:$0x4] =	wrdreg $0x9  }
0xb1: {  	_ =	task.clear_ibuf [dreg:s6], $0x5FFFF;
	_ =	strace $0x90000046  }
0xb2: {  	s29 =	simm.s32 $0x9;
	_ =	strace $0x80000048  }
0xb3: {  	_ =	swait.ge [sflag:s29], $0x1  }
0xb4: {  	[sflag:s29] =	ssyncadd.s32 $0xFFFFFFFF  }
0xb5: {  	_ =	strace $0x90000048  }
0xb6: {  	_ =	sfence  }
0xb7: {  	s30 =	sld [smem:$0x0];
	_ =	sdelay $0x2  }
0xb8: {  	s31 =	sshll.u32 s1, $0xD;
	s1 =	sshrl.u32 s1, $0x2  }
0xb9: {  	s3 =	sand.u32 $0x4000, s31;
	s1 =	sadd.s32 s1, s30  }
0xba: {  	s0 =	sor.u32 s3, s0;
	s1 =	sshll.u32 s1, $0x11  }
0xbb: {  	s0 =	sor.u32 s1, s0  }
0xbc: {  	s0 =	sadd.s32 $0x8F2B, s0  }
0xbd: {  	[sflag:s0] =	ssyncadd.remote.s32 $0x1  }
0xbe: {  	_ =	sfence.sel $0xFFFF  }
0xbf: {  	[dreg:$0x0] =	wrdreg $0xFFFFFFFF;
	(pc) =	sbr.abs _section_cstart, $3  }
0xc0: {  	[dreg:$0x1] =	wrdreg $0xFFFFFFFF  }
0xc1: {  	_ =	task.clear_ibuf [dreg:s6], $0x2FFFF;
	_ =	strace $0x9FFFFFFF  }
0xc2: {  	(tm) =	ssettm $0x7FFFFFFF  }
0xc3: {  	_ =	shalt  }
tec
execute0_lowered:
.L_overlay_start_1:
0x0: {  	(tag) =	ssettag $0x1  }
0x1: {  	s5 =	rddreg [dreg:$0x0]  }
0x2: {  	s0 =	srdreg.scid;
	s2 =	rddreg [dreg:$0x1]  }
0x3: {  	s3 =	simm.s32 $0x0;
	s10 =	simm.s32 $0x80;
	s11 =	simm.s32 $0x1400  }
0x4: {  	s12 =	simm.s32 $0x100;
	s4 =	sand.u32 $0x1, s0;
	s0 =	stileid.u32  }
0x5: {  	s13 =	simm.s32 $0x0;
	[smem:$0x7FF] =	sst s3;
	s7 =	smul.u32 $0x500, s0  }
0x6: {  	s1 =	sshll.u32 s4, $0x4;
	s8 =	sshll.u32 s4, $0x7;
	s9 =	smul.u32 $0xA00, s0  }
0x7: {  	s4 =	ssub.s32 $0x2, s4;
	s6 =	sor.u32 s0, s1;
	s1 =	rddreg [dreg:$0x2]  }
0x8: {  	_ =	strace $0x80000047;
	s31 =	sshrl.u32 s4, $0x1;
	s6 =	smul.u32 $0x280, s6  }
0x9: {  	s7 =	sor.u32 s8, s7;
	s9 =	sshrl.u32 s9, $0x2;
	s8 =	ssub.s32 s4, s31  }
0xa: {  	s7 =	sshrl.u32 s7, $0x3;
	s4 =	sadd.s32 s9, s2;
	s6 =	sadd.s32 s6, s5  }
0xb: {  	s9 =	simm.s32 $0x1;
	s7 =	sadd.s32 s7, s5;
	s5 =	sadd.s32 $0x1E00, s6  }
0xc: {  	v0 =	vimm.f32 $1.000000000e+00;
	v1 =	vimm.f32 $0.0e+00;
	s6 =	sadd.s32 $0x6E00, s7;
	s7 =	smax.u32 s8, $0x1;
	s8 =	simm.s32 $0x1480  }
.LBB2_1:
0xd: {  	[tilespmem:$0x1400] =	vst v0  }
0xe: {  	[tilespmem:$0x1410] =	vst v0  }
0xf: {  	[tilespmem:$0x1420] =	vst v0  }
0x10: {  	[tilespmem:$0x1430] =	vst v0  }
0x11: {  	[tilespmem:$0x1440] =	vst v0  }
0x12: {  	[tilespmem:$0x1450] =	vst v0  }
0x13: {  	[tilespmem:$0x1460] =	vst v0  }
0x14: {  	[tilespmem:$0x1470] =	vst v0  }
0x15: {  	[tilespmem:$0x1480] =	vst v1  }
0x16: {  	[tilespmem:$0x1490] =	vst v1  }
0x17: {  	[tilespmem:$0x14A0] =	vst v1  }
0x18: {  	[tilespmem:$0x14B0] =	vst v1  }
0x19: {  	[tilespmem:$0x14C0] =	vst v1  }
0x1a: {  	[tilespmem:$0x14D0] =	vst v1  }
0x1b: {  	[tilespmem:$0x14E0] =	vst v1  }
0x1c: {  	[tilespmem:$0x14F0] =	vst v1  }
0x1d: {  	[tilespmem:$0x1500] =	vst v1  }
0x1e: {  	[tilespmem:$0x1510] =	vst v1  }
0x1f: {  	[tilespmem:$0x1520] =	vst v1  }
0x20: {  	[tilespmem:$0x1530] =	vst v1  }
0x21: {  	[tilespmem:$0x1540] =	vst v1  }
0x22: {  	[tilespmem:$0x1550] =	vst v1  }
0x23: {  	[tilespmem:$0x1560] =	vst v1  }
0x24: {  	[tilespmem:$0x1570] =	vst v1  }
0x25: {  	[tilespmem:$0x1580] =	vst v1  }
0x26: {  	[tilespmem:$0x1590] =	vst v1  }
0x27: {  	[tilespmem:$0x15A0] =	vst v1  }
0x28: {  	[tilespmem:$0x15B0] =	vst v1  }
0x29: {  	[tilespmem:$0x15C0] =	vst v1  }
0x2a: {  	[tilespmem:$0x15D0] =	vst v1  }
0x2b: {  	[tilespmem:$0x15E0] =	vst v1  }
0x2c: {  	[tilespmem:$0x15F0] =	vst v1  }
0x2d: {  	[tilespmem:$0x1600] =	vst v1  }
0x2e: {  	[tilespmem:$0x1610] =	vst v1  }
0x2f: {  	[tilespmem:$0x1620] =	vst v1  }
0x30: {  	[tilespmem:$0x1630] =	vst v1  }
0x31: {  	[tilespmem:$0x1640] =	vst v1  }
0x32: {  	[tilespmem:$0x1650] =	vst v1  }
0x33: {  	[tilespmem:$0x1660] =	vst v1  }
0x34: {  	[tilespmem:$0x1670] =	vst v1  }
0x35: {  	[tilespmem:$0x1680] =	vst v1  }
0x36: {  	[tilespmem:$0x1690] =	vst v1  }
0x37: {  	[tilespmem:$0x16A0] =	vst v1  }
0x38: {  	[tilespmem:$0x16B0] =	vst v1  }
0x39: {  	[tilespmem:$0x16C0] =	vst v1  }
0x3a: {  	[tilespmem:$0x16D0] =	vst v1  }
0x3b: {  	[tilespmem:$0x16E0] =	vst v1  }
0x3c: {  	[tilespmem:$0x16F0] =	vst v1  }
0x3d: {  	[spmem:s4] =	stream.linear.scatter [tilespmem:s8], [sflag:$0x1], $0x280, $0x38;
	[tilespmem:$0x1980] =	vst v63  }
0x3e: {  	_ =	swait.ge [sflag:s9], $0x280  }
0x3f: {  	[sflag:s9] =	ssyncset.done $0x0  }
0x40: {  	[sflag:s9] =	ssyncadd.s32 $0xFFFFFD80  }
0x41: {  	[tilespmem:s3], [sflag:$0x1] =	stream.linear.gather [hbm4b:s5+s3], $0x1400, $0x38;
	[tilespmem:$0x1980] =	vst v63  }
0x42: {  	_ =	swait.ge [sflag:s9], $0x1400  }
0x43: {  	[sflag:s9] =	ssyncset.done $0x0  }
0x44: {  	[sflag:s9] =	ssyncadd.s32 $0xFFFFEC00  }
0x45: {  	s14 =	simm.s32 $0x0;
	[bflag:$0x0] =	sbarrier.arrive $0xFFFF  }
0x46: {  	[spmem:s2] =	stream.indirect.scatter.add.f32 [tilespmem:s11], [sflag:$0x1], $0x1, s14, s10, $0xb8;
	[tilespmem:$0x1980] =	vst v63  }
0x47: {  	_ =	swait.ge [sflag:s9], $0x80  }
0x48: {  	s14 =	simm.s32 $0x200;
	[sflag:s9] =	ssyncset.done $0x0  }
.LBB2_2:
0x49: {  	s15 =	sshra.s32 s14, $0x2;
	[sflag:s9] =	ssyncadd.s32 $0xFFFFFF80;
	p0 =	sne.s32 s14, $0x4E00  }
0x4a: {  	[spmem:s2] =	stream.indirect.scatter.add.f32 [tilespmem:s11], [sflag:$0x1], $0x1, s15, s10, $0xb8;
	[tilespmem:$0x1980] =	vst v63  }
.Ltmp0:
0x4b: {  	_ = 	snop;
	(pc) =	sbr.rel @p0 .LBB2_2-.Ltmp0, $4  }
0x4c: {  	_ = 	snop  }
0x4d: {  	s14 =	sadd.s32 $0x200, s14  }
0x4e: {  	_ =	swait.ge [sflag:s9], $0x80  }
0x4f: {  	[sflag:s9] =	ssyncset.done $0x0  }
0x50: {  	[sflag:s9] =	ssyncadd.s32 $0xFFFFFF80  }
0x51: {  	[bflag:$0x0] =	sbarrier.arrive $0xFFFF  }
0x52: {  	[tilespmem:s8], [sflag:$0x1] =	stream.linear.gather [spmem:s4], $0x280, $0x38;
	[tilespmem:$0x1980] =	vst v63  }
0x53: {  	s13 =	sadd.s32 $0x1, s13;
	_ =	swait.ge [sflag:s9], $0x280  }
0x54: {  	p0 =	sne.s32 s13, s7;
	[sflag:s9] =	ssyncset.done $0x0  }
.Ltmp1:
0x55: {  	[sflag:s9] =	ssyncadd.s32 $0xFFFFFD80;
	(pc) =	sbr.rel @p0 .LBB2_1-.Ltmp1, $4  }
0x56: {  	[hbm4b:s6+s10] =	stream.strided.scatter [tilespmem:s8], [sflag:$0x1], $0x280, s12, s10, $0x38;
	[tilespmem:$0x1980] =	vst v63  }
0x57: {  	_ =	swait.ge [sflag:s9], $0x280  }
0x58: {  	[sflag:s9] =	ssyncset.done $0x0  }
0x59: {  	[sflag:s9] =	ssyncadd.s32 $0xFFFFFD80  }
0x5a: {  	_ =	sfence.sel $0x180000  }
0x5b: {  	[bflag:$0x0] =	sbarrier.arrive $0xFFFF  }
0x5c: {  	p0 =	sne.s32 s0, $0x0;
	_ =	strace $0x90000047  }
0x5d: {  	s0 =	sadd.s32 @!p0 $0x100000, s1;
	[bflag:$0x2] =	sbarrier.arrive $0xFFFF  }
0x5e: {  	[sflag:s0] =	ssyncadd.tile.s32 @!p0 $0x1;
	_ =	shalt  }
.Lfunc_end2:
_tile_overlayer_lowered:
.L_overlay_start_2:
0x5f: {  	(tag) =	ssettag $0x2  }
0x60: {  	s0 =	rddreg [dreg:$0x0];
	s2 =	stileid.u32  }
0x61: {  	s1 =	rddreg [dreg:$0x1];
	p0 =	sne.s32 s2, $0x0  }
0x62: {  	s3 =	rddreg [dreg:$0x2];
	[bflag:$0x3] =	sbarrier.arrive $0xFFFF;
	s2 =	simm.s32 @!p0 $0x1C01  }
0x63: {  	[timem:s3], [sflag:s2] =	dma.local @!p0 [hbm:s0], s1  }
0x64: {  	s0 =	simm.s32 @!p0 $0x1  }
0x65: {  	_ =	swait.ge @!p0 [sflag:s0], s1  }
0x66: {  	s1 =	ssub.s32 @!p0 $0x0, s1;
	[sflag:s0] =	ssyncset.done @!p0 $0x0  }
0x67: {  	[sflag:s0] =	ssyncadd.s32 @!p0 s1  }
0x68: {  	[bflag:$0x3] =	sbarrier.arrive $0xFFFF  }
0x69: {  	_ =	shalt  }

</sc_bundles>
